<compile_context>
chip_gen: v7x
topology: tpu7x:2x2x1
jax: 0.10.2.dev20260603
libtpu: 0.0.44.dev20260713+nightly
codegen_flags: <defaults>
</compile_context>

<pallas_src>
import functools

import jax
import jax.numpy as jnp
from jax import lax
from jax.experimental import pallas as pl
from jax.experimental.pallas import tpu as pltpu
from jax.experimental.pallas import tpu_sc as plsc

N_NODES = 2_000_000
N_COLS = 9
N_TOR = 1_000_000

NW = 32
CHUNK = 31_360
N_PAD = NW * CHUNK
FG_ROWS = N_PAD // 128

CB = 65_536
NSTEPS = 31
TAIL = N_NODES - (NSTEPS - 1) * CB
SEG_ROWS = N_COLS * CB // 128
R8_ROWS = CB // 128
LIN_ROWS = NSTEPS * SEG_ROWS
TOT_PAD = LIN_ROWS * 128


_INV_2PI = 0.15915494309189535
_TWO_PI = 6.2831854820251465
_POLY = (
    1.876498936326243e-05,
    -0.001338016358204186,
    0.04148198664188385,
    -0.49974241852760315,
    0.9999158382415771,
)


def _fast_cos(x):
    k = jnp.round(x * _INV_2PI)
    r = x - k * _TWO_PI
    s = r * r
    acc = jnp.full_like(s, _POLY[0])
    for c in _POLY[1:]:
        acc = acc * s + c
    return acc



def _tc_reduce_body(bg_ref, out_ref, lin_ref):
    i = pl.program_id(0)

    @pl.when(i == 0)
    def _init():
        out_ref[0, 0] = 0.0

    x = bg_ref[...]
    lin_ref[...] = jnp.reshape(x, (SEG_ROWS, 128))
    x8 = x[0:8, :]

    @pl.when(i < NSTEPS - 1)
    def _full():
        out_ref[0, 0] += jnp.sum(1.0 - _fast_cos(x8))

    @pl.when(i == NSTEPS - 1)
    def _last():
        cols = lax.broadcasted_iota(jnp.int32, (8, CB), 1)
        part = jnp.where(cols < TAIL, 1.0 - _fast_cos(x8), 0.0)
        out_ref[0, 0] += jnp.sum(part)


_tc_reduce = pl.pallas_call(
    _tc_reduce_body,
    grid=(NSTEPS,),
    in_specs=[pl.BlockSpec((N_COLS, CB), lambda i: (0, i))],
    out_specs=[
        pl.BlockSpec(memory_space=pltpu.SMEM),
        pl.BlockSpec((SEG_ROWS, 128), lambda i: (i, 0)),
    ],
    out_shape=[
        jax.ShapeDtypeStruct((1, 1), jnp.float32),
        jax.ShapeDtypeStruct((LIN_ROWS, 128), jnp.float32),
    ],
)



def _sc_gather_body(node_hbm, dof_hbm, lin_hbm, out_hbm, idx_v, dof_v, gat_v, sem):
    wid = lax.axis_index("s") * 2 + lax.axis_index("c")
    base = wid * CHUNK
    pltpu.sync_copy(node_hbm.at[pl.ds(base, CHUNK)], idx_v)
    pltpu.sync_copy(dof_hbm.at[pl.ds(base, CHUNK)], dof_v)

    def flat_body(i, carry):
        s = pl.ds(i * 16, 16)
        n = idx_v[s]
        idx_v[s] = (
            lax.shift_right_logical(n, 16) * (N_COLS << 16)
            + lax.shift_left(dof_v[s], 16)
            + lax.bitwise_and(n, CB - 1)
        )
        return carry

    lax.fori_loop(0, CHUNK // 16, flat_body, 0, unroll=8)

    pltpu.async_copy(lin_hbm.at[idx_v], gat_v, sem).wait()
    pltpu.sync_copy(gat_v, out_hbm.at[pl.ds(base, CHUNK)])


_sc_gather = functools.partial(
    pl.kernel,
    mesh=plsc.VectorSubcoreMesh(core_axis_name="c", subcore_axis_name="s"),
    out_type=jax.ShapeDtypeStruct((N_PAD,), jnp.float32),
    scratch_types=[
        pltpu.VMEM((CHUNK,), jnp.int32),
        pltpu.VMEM((CHUNK,), jnp.int32),
        pltpu.VMEM((CHUNK,), jnp.float32),
        pltpu.SemaphoreType.DMA,
    ],
)(_sc_gather_body)



def _tc_row8_body(r8_ref, fg_ref, out_ref):
    i = pl.program_id(0)

    @pl.when(i == 0)
    def _init():
        rows = lax.broadcasted_iota(jnp.int32, (FG_ROWS, 128), 0)
        cols = lax.broadcasted_iota(jnp.int32, (FG_ROWS, 128), 1)
        valid = rows * 128 + cols < N_TOR
        fgc = jnp.where(valid, _fast_cos(fg_ref[...]), 0.0)
        out_ref[0, 0] = -jnp.sum(fgc)

    x = r8_ref[...]

    @pl.when(i < NSTEPS - 1)
    def _full():
        out_ref[0, 0] += jnp.sum(1.0 - _fast_cos(x))

    @pl.when(i == NSTEPS - 1)
    def _last():
        rows = lax.broadcasted_iota(jnp.int32, (R8_ROWS, 128), 0)
        cols = lax.broadcasted_iota(jnp.int32, (R8_ROWS, 128), 1)
        part = jnp.where(rows * 128 + cols < TAIL, 1.0 - _fast_cos(x), 0.0)
        out_ref[0, 0] += jnp.sum(part)


_tc_row8 = pl.pallas_call(
    _tc_row8_body,
    grid=(NSTEPS,),
    in_specs=[
        pl.BlockSpec((R8_ROWS, 128), lambda i: (i * N_COLS + 8, 0)),
        pl.BlockSpec((FG_ROWS, 128), lambda i: (0, 0)),
    ],
    out_specs=pl.BlockSpec(memory_space=pltpu.SMEM),
    out_shape=jax.ShapeDtypeStruct((1, 1), jnp.float32),
)



def _tc_corr_body(g_ref, out_ref):
    rows = lax.broadcasted_iota(jnp.int32, (FG_ROWS, 128), 0)
    cols = lax.broadcasted_iota(jnp.int32, (FG_ROWS, 128), 1)
    valid = rows * 128 + cols < N_TOR
    corr = jnp.where(valid, _fast_cos(g_ref[...]), 0.0)
    out_ref[0, 0] = jnp.sum(corr)


_tc_corr = pl.pallas_call(
    _tc_corr_body,
    in_specs=[pl.BlockSpec((FG_ROWS, 128), lambda: (0, 0))],
    out_specs=pl.BlockSpec(memory_space=pltpu.SMEM),
    out_shape=jax.ShapeDtypeStruct((1, 1), jnp.float32),
)


def kernel(fg, node_idx, dof_idx, dofs_bg):
    pad = N_PAD - N_TOR
    node_p = jnp.concatenate([node_idx, jnp.zeros((pad,), jnp.int32)])
    dof_p = jnp.concatenate([dof_idx, jnp.zeros((pad,), jnp.int32)])
    fg_p = jnp.concatenate([fg, jnp.zeros((pad,), jnp.float32)])

    bg_t = dofs_bg.T
    dense, lin = _tc_reduce(bg_t)
    gathered = _sc_gather(node_p, dof_p, lin.reshape(TOT_PAD))
    d8 = _tc_row8(lin, fg_p.reshape(FG_ROWS, 128))
    corr = _tc_corr(gathered.reshape(FG_ROWS, 128))
    return dense[0, 0] + d8[0, 0] + corr[0, 0]

# --- scband reference (transcript-rebuilt; emitter-appended) ---
"""Pipeline reference for scband-torsional-energy-network-69106023792949 (READ-ONLY COPY).

The authoritative reference and input builder live on the scoring server;
editing this copy changes nothing except your own understanding.
"""

import jax, jax.numpy as jnp
import numpy as np

N_NODES = 2000000
N_DOF_COLS = 9
N_TORSIONS = 1000000


def setup_inputs(seed: int = 0) -> dict:
    key = jax.random.key(seed)
    k1, k2, k3, k4 = jax.random.split(key, 4)
    # fg: the learned torsion-DOF parameter vector (nn.Parameter in the torch module)
    fg = jax.random.normal(k1, (N_TORSIONS,), dtype=jnp.float32)
    # mask = (node_idx, dof_idx): integer coordinates of bond-torsion DOFs in the dofs tensor
    node_idx = jax.random.randint(k2, (N_TORSIONS,), 0, N_NODES, dtype=jnp.int32)
    dof_idx = jax.random.randint(k3, (N_TORSIONS,), 0, N_DOF_COLS, dtype=jnp.int32)
    # background dofs tensor held by the score graph (graph.dofs)
    dofs_bg = jax.random.normal(k4, (N_NODES, N_DOF_COLS), dtype=jnp.float32)
    return {"fg": fg, "node_idx": node_idx, "dof_idx": dof_idx, "dofs_bg": dofs_bg}


def reference(fg, node_idx, dof_idx, dofs_bg):
    # DOFMaskingFunc.forward: bg[mask] = fg  (scatter-overwrite at (node_idx, dof_idx))
    dofs = dofs_bg.at[node_idx, dof_idx].set(fg)
    # graph.reset_coords() + graph.intra_score().total: the original scoring graph is
    # an external dependency; represented here as a smooth periodic torsional
    # energy reduction over the full dofs tensor (sum over 1 - cos(dof)).
    total = jnp.sum(1.0 - jnp.cos(dofs))
    return total

if __name__ == "__main__":
    import jax
    _d = setup_inputs()
    print(jax.jit(kernel)(*tuple(_d.values())))

</pallas_src>

<mosaic_0001>
#map = affine_map<(d0, d1) -> (0)>
module attributes {stable_mosaic.version = 14 : i64} {
  func.func @_sc_gather_body(%arg0: i32, %arg1: i32, %arg2: memref<1003520xi32, #tpu.memory_space<hbm>>, %arg3: memref<1003520xi32, #tpu.memory_space<hbm>>, %arg4: memref<18284544xf32, #tpu.memory_space<hbm>>, %arg5: memref<1003520xf32, #tpu.memory_space<hbm>>, %arg6: memref<31360xi32, #tpu.memory_space<vmem>>, %arg7: memref<31360xi32, #tpu.memory_space<vmem>>, %arg8: memref<31360xf32, #tpu.memory_space<vmem>>, %arg9: memref<!tpu.dma_semaphore, #tpu.memory_space<semaphore_mem>>) attributes {dimension_semantics = [#tpu.dimension_semantics<core_parallel>, #tpu.dimension_semantics<subcore_parallel>], iteration_bounds = array<i64: 2, 16>, scalar_prefetch = 0 : i64, scratch_operands = 4 : i64, tpu.core_type = #tpu.core_type<sc_vector_subcore>, window_params = [{transform_indices = #map}, {transform_indices = #map}, {transform_indices = #map}, {transform_indices = #map}]} {
    %mul3A = arith.constant 2 : i32
    %mul3A_0 = arith.muli %arg1, %mul3A : i32
    %add3A = arith.addi %mul3A_0, %arg0 : i32
    %mul3A_1 = arith.constant 31360 : i32
    %mul3A_2 = arith.muli %add3A, %mul3A_1 : i32
    "tpu.region"() ({
      %run_scoped3A = tpu.sem_alloc : memref<!tpu.dma_semaphore, #tpu.memory_space<semaphore_mem>>
      %dma_start3A_10 = tpu.memref_slice %arg2[%mul3A_2] : memref<1003520xi32, #tpu.memory_space<hbm>> -> memref<31360xi32, #tpu.memory_space<hbm>>
      %dma_start3A_11 = tpu.memref_slice %arg2[%mul3A_2] : memref<1003520xi32, #tpu.memory_space<hbm>> -> memref<31360xi32, #tpu.memory_space<hbm>>
      tpu.enqueue_dma source(%dma_start3A_11 : memref<31360xi32, #tpu.memory_space<hbm>>) target(%arg6 : memref<31360xi32, #tpu.memory_space<vmem>>) target_semaphore(%run_scoped3A : memref<!tpu.dma_semaphore, #tpu.memory_space<semaphore_mem>>)
      %dma_wait3A_12 = tpu.memref_slice %arg2[%mul3A_2] : memref<1003520xi32, #tpu.memory_space<hbm>> -> memref<31360xi32, #tpu.memory_space<hbm>>
      %dma_wait3A_13 = tpu.memref_slice %arg2[%mul3A_2] : memref<1003520xi32, #tpu.memory_space<hbm>> -> memref<31360xi32, #tpu.memory_space<hbm>>
      tpu.wait_dma2 semaphore(%run_scoped3A : memref<!tpu.dma_semaphore, #tpu.memory_space<semaphore_mem>>) src(%dma_wait3A_13 : memref<31360xi32, #tpu.memory_space<hbm>>) dst(%arg6 : memref<31360xi32, #tpu.memory_space<vmem>>)
      tpu.yield
    }) : () -> ()
    "tpu.region"() ({
      %run_scoped3A = tpu.sem_alloc : memref<!tpu.dma_semaphore, #tpu.memory_space<semaphore_mem>>
      %dma_start3A_10 = tpu.memref_slice %arg3[%mul3A_2] : memref<1003520xi32, #tpu.memory_space<hbm>> -> memref<31360xi32, #tpu.memory_space<hbm>>
      %dma_start3A_11 = tpu.memref_slice %arg3[%mul3A_2] : memref<1003520xi32, #tpu.memory_space<hbm>> -> memref<31360xi32, #tpu.memory_space<hbm>>
      tpu.enqueue_dma source(%dma_start3A_11 : memref<31360xi32, #tpu.memory_space<hbm>>) target(%arg7 : memref<31360xi32, #tpu.memory_space<vmem>>) target_semaphore(%run_scoped3A : memref<!tpu.dma_semaphore, #tpu.memory_space<semaphore_mem>>)
      %dma_wait3A_12 = tpu.memref_slice %arg3[%mul3A_2] : memref<1003520xi32, #tpu.memory_space<hbm>> -> memref<31360xi32, #tpu.memory_space<hbm>>
      %dma_wait3A_13 = tpu.memref_slice %arg3[%mul3A_2] : memref<1003520xi32, #tpu.memory_space<hbm>> -> memref<31360xi32, #tpu.memory_space<hbm>>
      tpu.wait_dma2 semaphore(%run_scoped3A : memref<!tpu.dma_semaphore, #tpu.memory_space<semaphore_mem>>) src(%dma_wait3A_13 : memref<31360xi32, #tpu.memory_space<hbm>>) dst(%arg7 : memref<31360xi32, #tpu.memory_space<vmem>>)
      tpu.yield
    }) : () -> ()
    %scan3A = arith.constant 0 : i32
    %scan3A_3 = arith.constant 0 : i32
    %scan3A_4 = arith.constant 1960 : i32
    %scan3A_5 = arith.addi %scan3A_3, %scan3A_4 : i32
    %scan3A_6 = arith.constant 8 : i32
    scf.for %scan3A_10 = %scan3A_3 to %scan3A_5 step %scan3A_6  : i32 {
      %mul3A_11 = arith.constant 16 : i32
      %mul3A_12 = arith.muli %scan3A_10, %mul3A_11 : i32
      %get3A = arith.index_cast %mul3A_12 : i32 to index
      %get3A_13 = tpu.vector_load %arg6[%get3A] {strides = array<i32>} : memref<31360xi32, #tpu.memory_space<vmem>>, vector<16xi32>,
      %get3A_14 = vector.shape_cast %get3A_13 : vector<16xi32> to vector<16xi32>
      %shift_right_logical3A = arith.constant 16 : i32
      %shift_right_logical3A_15 = vector.broadcast %shift_right_logical3A : i32 to vector<16xi32>
      %shift_right_logical3A_16 = arith.shrui %get3A_14, %shift_right_logical3A_15 : vector<16xi32>
      %mul3A_17 = arith.constant 589824 : i32
      %mul3A_18 = vector.broadcast %mul3A_17 : i32 to vector<16xi32>
      %mul3A_19 = arith.muli %shift_right_logical3A_16, %mul3A_18 : vector<16xi32>
      %get3A_20 = arith.index_cast %mul3A_12 : i32 to index
      %get3A_21 = tpu.vector_load %arg7[%get3A_20] {strides = array<i32>} : memref<31360xi32, #tpu.memory_space<vmem>>, vector<16xi32>,
      %get3A_22 = vector.shape_cast %get3A_21 : vector<16xi32> to vector<16xi32>
      %shift_left3A = arith.constant 16 : i32
      %shift_left3A_23 = vector.broadcast %shift_left3A : i32 to vector<16xi32>
      %shift_left3A_24 = arith.shli %get3A_22, %shift_left3A_23 : vector<16xi32>
      %add3A_25 = arith.addi %mul3A_19, %shift_left3A_24 : vector<16xi32>
      %and3A = arith.constant 65535 : i32
      %and3A_26 = vector.broadcast %and3A : i32 to vector<16xi32>
      %and3A_27 = arith.andi %get3A_14, %and3A_26 : vector<16xi32>
      %add3A_28 = arith.addi %add3A_25, %and3A_27 : vector<16xi32>
      %swap3A = arith.index_cast %mul3A_12 : i32 to index
      %swap3A_29 = tpu.vector_load %arg6[%swap3A] {strides = array<i32>} : memref<31360xi32, #tpu.memory_space<vmem>>, vector<16xi32>,
      %swap3A_30 = vector.shape_cast %swap3A_29 : vector<16xi32> to vector<16xi32>
      %swap3A_31 = vector.shape_cast %add3A_28 : vector<16xi32> to vector<16xi32>
      tpu.vector_store %arg6[%swap3A], %swap3A_31 {strides = array<i32>} : memref<31360xi32, #tpu.memory_space<vmem>>, vector<16xi32>,
      %scan3A_32 = arith.constant 1 : i32
      %scan3A_33 = arith.addi %scan3A_10, %scan3A_32 : i32
      %mul3A_34 = arith.constant 16 : i32
      %mul3A_35 = arith.muli %scan3A_33, %mul3A_34 : i32
      %get3A_36 = arith.index_cast %mul3A_35 : i32 to index
      %get3A_37 = tpu.vector_load %arg6[%get3A_36] {strides = array<i32>} : memref<31360xi32, #tpu.memory_space<vmem>>, vector<16xi32>,
      %get3A_38 = vector.shape_cast %get3A_37 : vector<16xi32> to vector<16xi32>
      %shift_right_logical3A_39 = arith.constant 16 : i32
      %shift_right_logical3A_40 = vector.broadcast %shift_right_logical3A_39 : i32 to vector<16xi32>
      %shift_right_logical3A_41 = arith.shrui %get3A_38, %shift_right_logical3A_40 : vector<16xi32>
      %mul3A_42 = arith.constant 589824 : i32
      %mul3A_43 = vector.broadcast %mul3A_42 : i32 to vector<16xi32>
      %mul3A_44 = arith.muli %shift_right_logical3A_41, %mul3A_43 : vector<16xi32>
      %get3A_45 = arith.index_cast %mul3A_35 : i32 to index
      %get3A_46 = tpu.vector_load %arg7[%get3A_45] {strides = array<i32>} : memref<31360xi32, #tpu.memory_space<vmem>>, vector<16xi32>,
      %get3A_47 = vector.shape_cast %get3A_46 : vector<16xi32> to vector<16xi32>
      %shift_left3A_48 = arith.constant 16 : i32
      %shift_left3A_49 = vector.broadcast %shift_left3A_48 : i32 to vector<16xi32>
      %shift_left3A_50 = arith.shli %get3A_47, %shift_left3A_49 : vector<16xi32>
      %add3A_51 = arith.addi %mul3A_44, %shift_left3A_50 : vector<16xi32>
      %and3A_52 = arith.constant 65535 : i32
      %and3A_53 = vector.broadcast %and3A_52 : i32 to vector<16xi32>
      %and3A_54 = arith.andi %get3A_38, %and3A_53 : vector<16xi32>
      %add3A_55 = arith.addi %add3A_51, %and3A_54 : vector<16xi32>
      %swap3A_56 = arith.index_cast %mul3A_35 : i32 to index
      %swap3A_57 = tpu.vector_load %arg6[%swap3A_56] {strides = array<i32>} : memref<31360xi32, #tpu.memory_space<vmem>>, vector<16xi32>,
      %swap3A_58 = vector.shape_cast %swap3A_57 : vector<16xi32> to vector<16xi32>
      %swap3A_59 = vector.shape_cast %add3A_55 : vector<16xi32> to vector<16xi32>
      tpu.vector_store %arg6[%swap3A_56], %swap3A_59 {strides = array<i32>} : memref<31360xi32, #tpu.memory_space<vmem>>, vector<16xi32>,
      %scan3A_60 = arith.constant 2 : i32
      %scan3A_61 = arith.addi %scan3A_10, %scan3A_60 : i32
      %mul3A_62 = arith.constant 16 : i32
      %mul3A_63 = arith.muli %scan3A_61, %mul3A_62 : i32
      %get3A_64 = arith.index_cast %mul3A_63 : i32 to index
      %get3A_65 = tpu.vector_load %arg6[%get3A_64] {strides = array<i32>} : memref<31360xi32, #tpu.memory_space<vmem>>, vector<16xi32>,
      %get3A_66 = vector.shape_cast %get3A_65 : vector<16xi32> to vector<16xi32>
      %shift_right_logical3A_67 = arith.constant 16 : i32
      %shift_right_logical3A_68 = vector.broadcast %shift_right_logical3A_67 : i32 to vector<16xi32>
      %shift_right_logical3A_69 = arith.shrui %get3A_66, %shift_right_logical3A_68 : vector<16xi32>
      %mul3A_70 = arith.constant 589824 : i32
      %mul3A_71 = vector.broadcast %mul3A_70 : i32 to vector<16xi32>
      %mul3A_72 = arith.muli %shift_right_logical3A_69, %mul3A_71 : vector<16xi32>
      %get3A_73 = arith.index_cast %mul3A_63 : i32 to index
      %get3A_74 = tpu.vector_load %arg7[%get3A_73] {strides = array<i32>} : memref<31360xi32, #tpu.memory_space<vmem>>, vector<16xi32>,
      %get3A_75 = vector.shape_cast %get3A_74 : vector<16xi32> to vector<16xi32>
      %shift_left3A_76 = arith.constant 16 : i32
      %shift_left3A_77 = vector.broadcast %shift_left3A_76 : i32 to vector<16xi32>
      %shift_left3A_78 = arith.shli %get3A_75, %shift_left3A_77 : vector<16xi32>
      %add3A_79 = arith.addi %mul3A_72, %shift_left3A_78 : vector<16xi32>
      %and3A_80 = arith.constant 65535 : i32
      %and3A_81 = vector.broadcast %and3A_80 : i32 to vector<16xi32>
      %and3A_82 = arith.andi %get3A_66, %and3A_81 : vector<16xi32>
      %add3A_83 = arith.addi %add3A_79, %and3A_82 : vector<16xi32>
      %swap3A_84 = arith.index_cast %mul3A_63 : i32 to index
      %swap3A_85 = tpu.vector_load %arg6[%swap3A_84] {strides = array<i32>} : memref<31360xi32, #tpu.memory_space<vmem>>, vector<16xi32>,
      %swap3A_86 = vector.shape_cast %swap3A_85 : vector<16xi32> to vector<16xi32>
      %swap3A_87 = vector.shape_cast %add3A_83 : vector<16xi32> to vector<16xi32>
      tpu.vector_store %arg6[%swap3A_84], %swap3A_87 {strides = array<i32>} : memref<31360xi32, #tpu.memory_space<vmem>>, vector<16xi32>,
      %scan3A_88 = arith.constant 3 : i32
      %scan3A_89 = arith.addi %scan3A_10, %scan3A_88 : i32
      %mul3A_90 = arith.constant 16 : i32
      %mul3A_91 = arith.muli %scan3A_89, %mul3A_90 : i32
      %get3A_92 = arith.index_cast %mul3A_91 : i32 to index
      %get3A_93 = tpu.vector_load %arg6[%get3A_92] {strides = array<i32>} : memref<31360xi32, #tpu.memory_space<vmem>>, vector<16xi32>,
      %get3A_94 = vector.shape_cast %get3A_93 : vector<16xi32> to vector<16xi32>
      %shift_right_logical3A_95 = arith.constant 16 : i32
      %shift_right_logical3A_96 = vector.broadcast %shift_right_logical3A_95 : i32 to vector<16xi32>
      %shift_right_logical3A_97 = arith.shrui %get3A_94, %shift_right_logical3A_96 : vector<16xi32>
      %mul3A_98 = arith.constant 589824 : i32
      %mul3A_99 = vector.broadcast %mul3A_98 : i32 to vector<16xi32>
      %mul3A_100 = arith.muli %shift_right_logical3A_97, %mul3A_99 : vector<16xi32>
      %get3A_101 = arith.index_cast %mul3A_91 : i32 to index
      %get3A_102 = tpu.vector_load %arg7[%get3A_101] {strides = array<i32>} : memref<31360xi32, #tpu.memory_space<vmem>>, vector<16xi32>,
      %get3A_103 = vector.shape_cast %get3A_102 : vector<16xi32> to vector<16xi32>
      %shift_left3A_104 = arith.constant 16 : i32
      %shift_left3A_105 = vector.broadcast %shift_left3A_104 : i32 to vector<16xi32>
      %shift_left3A_106 = arith.shli %get3A_103, %shift_left3A_105 : vector<16xi32>
      %add3A_107 = arith.addi %mul3A_100, %shift_left3A_106 : vector<16xi32>
      %and3A_108 = arith.constant 65535 : i32
      %and3A_109 = vector.broadcast %and3A_108 : i32 to vector<16xi32>
      %and3A_110 = arith.andi %get3A_94, %and3A_109 : vector<16xi32>
      %add3A_111 = arith.addi %add3A_107, %and3A_110 : vector<16xi32>
      %swap3A_112 = arith.index_cast %mul3A_91 : i32 to index
      %swap3A_113 = tpu.vector_load %arg6[%swap3A_112] {strides = array<i32>} : memref<31360xi32, #tpu.memory_space<vmem>>, vector<16xi32>,
      %swap3A_114 = vector.shape_cast %swap3A_113 : vector<16xi32> to vector<16xi32>
      %swap3A_115 = vector.shape_cast %add3A_111 : vector<16xi32> to vector<16xi32>
      tpu.vector_store %arg6[%swap3A_112], %swap3A_115 {strides = array<i32>} : memref<31360xi32, #tpu.memory_space<vmem>>, vector<16xi32>,
      %scan3A_116 = arith.constant 4 : i32
      %scan3A_117 = arith.addi %scan3A_10, %scan3A_116 : i32
      %mul3A_118 = arith.constant 16 : i32
      %mul3A_119 = arith.muli %scan3A_117, %mul3A_118 : i32
      %get3A_120 = arith.index_cast %mul3A_119 : i32 to index
      %get3A_121 = tpu.vector_load %arg6[%get3A_120] {strides = array<i32>} : memref<31360xi32, #tpu.memory_space<vmem>>, vector<16xi32>,
      %get3A_122 = vector.shape_cast %get3A_121 : vector<16xi32> to vector<16xi32>
      %shift_right_logical3A_123 = arith.constant 16 : i32
      %shift_right_logical3A_124 = vector.broadcast %shift_right_logical3A_123 : i32 to vector<16xi32>
      %shift_right_logical3A_125 = arith.shrui %get3A_122, %shift_right_logical3A_124 : vector<16xi32>
      %mul3A_126 = arith.constant 589824 : i32
      %mul3A_127 = vector.broadcast %mul3A_126 : i32 to vector<16xi32>
      %mul3A_128 = arith.muli %shift_right_logical3A_125, %mul3A_127 : vector<16xi32>
      %get3A_129 = arith.index_cast %mul3A_119 : i32 to index
      %get3A_130 = tpu.vector_load %arg7[%get3A_129] {strides = array<i32>} : memref<31360xi32, #tpu.memory_space<vmem>>, vector<16xi32>,
      %get3A_131 = vector.shape_cast %get3A_130 : vector<16xi32> to vector<16xi32>
      %shift_left3A_132 = arith.constant 16 : i32
      %shift_left3A_133 = vector.broadcast %shift_left3A_132 : i32 to vector<16xi32>
      %shift_left3A_134 = arith.shli %get3A_131, %shift_left3A_133 : vector<16xi32>
      %add3A_135 = arith.addi %mul3A_128, %shift_left3A_134 : vector<16xi32>
      %and3A_136 = arith.constant 65535 : i32
      %and3A_137 = vector.broadcast %and3A_136 : i32 to vector<16xi32>
      %and3A_138 = arith.andi %get3A_122, %and3A_137 : vector<16xi32>
      %add3A_139 = arith.addi %add3A_135, %and3A_138 : vector<16xi32>
      %swap3A_140 = arith.index_cast %mul3A_119 : i32 to index
      %swap3A_141 = tpu.vector_load %arg6[%swap3A_140] {strides = array<i32>} : memref<31360xi32, #tpu.memory_space<vmem>>, vector<16xi32>,
      %swap3A_142 = vector.shape_cast %swap3A_141 : vector<16xi32> to vector<16xi32>
      %swap3A_143 = vector.shape_cast %add3A_139 : vector<16xi32> to vector<16xi32>
      tpu.vector_store %arg6[%swap3A_140], %swap3A_143 {strides = array<i32>} : memref<31360xi32, #tpu.memory_space<vmem>>, vector<16xi32>,
      %scan3A_144 = arith.constant 5 : i32
      %scan3A_145 = arith.addi %scan3A_10, %scan3A_144 : i32
      %mul3A_146 = arith.constant 16 : i32
      %mul3A_147 = arith.muli %scan3A_145, %mul3A_146 : i32
      %get3A_148 = arith.index_cast %mul3A_147 : i32 to index
      %get3A_149 = tpu.vector_load %arg6[%get3A_148] {strides = array<i32>} : memref<31360xi32, #tpu.memory_space<vmem>>, vector<16xi32>,
      %get3A_150 = vector.shape_cast %get3A_149 : vector<16xi32> to vector<16xi32>
      %shift_right_logical3A_151 = arith.constant 16 : i32
      %shift_right_logical3A_152 = vector.broadcast %shift_right_logical3A_151 : i32 to vector<16xi32>
      %shift_right_logical3A_153 = arith.shrui %get3A_150, %shift_right_logical3A_152 : vector<16xi32>
      %mul3A_154 = arith.constant 589824 : i32
      %mul3A_155 = vector.broadcast %mul3A_154 : i32 to vector<16xi32>
      %mul3A_156 = arith.muli %shift_right_logical3A_153, %mul3A_155 : vector<16xi32>
      %get3A_157 = arith.index_cast %mul3A_147 : i32 to index
      %get3A_158 = tpu.vector_load %arg7[%get3A_157] {strides = array<i32>} : memref<31360xi32, #tpu.memory_space<vmem>>, vector<16xi32>,
      %get3A_159 = vector.shape_cast %get3A_158 : vector<16xi32> to vector<16xi32>
      %shift_left3A_160 = arith.constant 16 : i32
      %shift_left3A_161 = vector.broadcast %shift_left3A_160 : i32 to vector<16xi32>
      %shift_left3A_162 = arith.shli %get3A_159, %shift_left3A_161 : vector<16xi32>
      %add3A_163 = arith.addi %mul3A_156, %shift_left3A_162 : vector<16xi32>
      %and3A_164 = arith.constant 65535 : i32
      %and3A_165 = vector.broadcast %and3A_164 : i32 to vector<16xi32>
      %and3A_166 = arith.andi %get3A_150, %and3A_165 : vector<16xi32>
      %add3A_167 = arith.addi %add3A_163, %and3A_166 : vector<16xi32>
      %swap3A_168 = arith.index_cast %mul3A_147 : i32 to index
      %swap3A_169 = tpu.vector_load %arg6[%swap3A_168] {strides = array<i32>} : memref<31360xi32, #tpu.memory_space<vmem>>, vector<16xi32>,
      %swap3A_170 = vector.shape_cast %swap3A_169 : vector<16xi32> to vector<16xi32>
      %swap3A_171 = vector.shape_cast %add3A_167 : vector<16xi32> to vector<16xi32>
      tpu.vector_store %arg6[%swap3A_168], %swap3A_171 {strides = array<i32>} : memref<31360xi32, #tpu.memory_space<vmem>>, vector<16xi32>,
      %scan3A_172 = arith.constant 6 : i32
      %scan3A_173 = arith.addi %scan3A_10, %scan3A_172 : i32
      %mul3A_174 = arith.constant 16 : i32
      %mul3A_175 = arith.muli %scan3A_173, %mul3A_174 : i32
      %get3A_176 = arith.index_cast %mul3A_175 : i32 to index
      %get3A_177 = tpu.vector_load %arg6[%get3A_176] {strides = array<i32>} : memref<31360xi32, #tpu.memory_space<vmem>>, vector<16xi32>,
      %get3A_178 = vector.shape_cast %get3A_177 : vector<16xi32> to vector<16xi32>
      %shift_right_logical3A_179 = arith.constant 16 : i32
      %shift_right_logical3A_180 = vector.broadcast %shift_right_logical3A_179 : i32 to vector<16xi32>
      %shift_right_logical3A_181 = arith.shrui %get3A_178, %shift_right_logical3A_180 : vector<16xi32>
      %mul3A_182 = arith.constant 589824 : i32
      %mul3A_183 = vector.broadcast %mul3A_182 : i32 to vector<16xi32>
      %mul3A_184 = arith.muli %shift_right_logical3A_181, %mul3A_183 : vector<16xi32>
      %get3A_185 = arith.index_cast %mul3A_175 : i32 to index
      %get3A_186 = tpu.vector_load %arg7[%get3A_185] {strides = array<i32>} : memref<31360xi32, #tpu.memory_space<vmem>>, vector<16xi32>,
      %get3A_187 = vector.shape_cast %get3A_186 : vector<16xi32> to vector<16xi32>
      %shift_left3A_188 = arith.constant 16 : i32
      %shift_left3A_189 = vector.broadcast %shift_left3A_188 : i32 to vector<16xi32>
      %shift_left3A_190 = arith.shli %get3A_187, %shift_left3A_189 : vector<16xi32>
      %add3A_191 = arith.addi %mul3A_184, %shift_left3A_190 : vector<16xi32>
      %and3A_192 = arith.constant 65535 : i32
      %and3A_193 = vector.broadcast %and3A_192 : i32 to vector<16xi32>
      %and3A_194 = arith.andi %get3A_178, %and3A_193 : vector<16xi32>
      %add3A_195 = arith.addi %add3A_191, %and3A_194 : vector<16xi32>
      %swap3A_196 = arith.index_cast %mul3A_175 : i32 to index
      %swap3A_197 = tpu.vector_load %arg6[%swap3A_196] {strides = array<i32>} : memref<31360xi32, #tpu.memory_space<vmem>>, vector<16xi32>,
      %swap3A_198 = vector.shape_cast %swap3A_197 : vector<16xi32> to vector<16xi32>
      %swap3A_199 = vector.shape_cast %add3A_195 : vector<16xi32> to vector<16xi32>
      tpu.vector_store %arg6[%swap3A_196], %swap3A_199 {strides = array<i32>} : memref<31360xi32, #tpu.memory_space<vmem>>, vector<16xi32>,
      %scan3A_200 = arith.constant 7 : i32
      %scan3A_201 = arith.addi %scan3A_10, %scan3A_200 : i32
      %mul3A_202 = arith.constant 16 : i32
      %mul3A_203 = arith.muli %scan3A_201, %mul3A_202 : i32
      %get3A_204 = arith.index_cast %mul3A_203 : i32 to index
      %get3A_205 = tpu.vector_load %arg6[%get3A_204] {strides = array<i32>} : memref<31360xi32, #tpu.memory_space<vmem>>, vector<16xi32>,
      %get3A_206 = vector.shape_cast %get3A_205 : vector<16xi32> to vector<16xi32>
      %shift_right_logical3A_207 = arith.constant 16 : i32
      %shift_right_logical3A_208 = vector.broadcast %shift_right_logical3A_207 : i32 to vector<16xi32>
      %shift_right_logical3A_209 = arith.shrui %get3A_206, %shift_right_logical3A_208 : vector<16xi32>
      %mul3A_210 = arith.constant 589824 : i32
      %mul3A_211 = vector.broadcast %mul3A_210 : i32 to vector<16xi32>
      %mul3A_212 = arith.muli %shift_right_logical3A_209, %mul3A_211 : vector<16xi32>
      %get3A_213 = arith.index_cast %mul3A_203 : i32 to index
      %get3A_214 = tpu.vector_load %arg7[%get3A_213] {strides = array<i32>} : memref<31360xi32, #tpu.memory_space<vmem>>, vector<16xi32>,
      %get3A_215 = vector.shape_cast %get3A_214 : vector<16xi32> to vector<16xi32>
      %shift_left3A_216 = arith.constant 16 : i32
      %shift_left3A_217 = vector.broadcast %shift_left3A_216 : i32 to vector<16xi32>
      %shift_left3A_218 = arith.shli %get3A_215, %shift_left3A_217 : vector<16xi32>
      %add3A_219 = arith.addi %mul3A_212, %shift_left3A_218 : vector<16xi32>
      %and3A_220 = arith.constant 65535 : i32
      %and3A_221 = vector.broadcast %and3A_220 : i32 to vector<16xi32>
      %and3A_222 = arith.andi %get3A_206, %and3A_221 : vector<16xi32>
      %add3A_223 = arith.addi %add3A_219, %and3A_222 : vector<16xi32>
      %swap3A_224 = arith.index_cast %mul3A_203 : i32 to index
      %swap3A_225 = tpu.vector_load %arg6[%swap3A_224] {strides = array<i32>} : memref<31360xi32, #tpu.memory_space<vmem>>, vector<16xi32>,
      %swap3A_226 = vector.shape_cast %swap3A_225 : vector<16xi32> to vector<16xi32>
      %swap3A_227 = vector.shape_cast %add3A_223 : vector<16xi32> to vector<16xi32>
      tpu.vector_store %arg6[%swap3A_224], %swap3A_227 {strides = array<i32>} : memref<31360xi32, #tpu.memory_space<vmem>>, vector<16xi32>,
    }
    %scan3A_7 = arith.constant 1960 : i32
    %dma_start3A = arith.constant 0 : i32
    %dma_start3A_8 = tpu.memref_slice %arg4[%dma_start3A] : memref<18284544xf32, #tpu.memory_space<hbm>> -> memref<18284544xf32, #tpu.memory_space<hbm>>
    tpu.enqueue_indirect_dma source(%dma_start3A_8 : memref<18284544xf32, #tpu.memory_space<hbm>>) target(%arg8 : memref<31360xf32, #tpu.memory_space<vmem>>) offsets(%arg6 : memref<31360xi32, #tpu.memory_space<vmem>>) semaphore(%arg9 : memref<!tpu.dma_semaphore, #tpu.memory_space<semaphore_mem>>)
    %dma_wait3A = arith.constant 0 : i32
    %dma_wait3A_9 = tpu.memref_slice %arg4[%dma_wait3A] : memref<18284544xf32, #tpu.memory_space<hbm>> -> memref<18284544xf32, #tpu.memory_space<hbm>>
    tpu.wait_indirect_dma semaphore(%arg9 : memref<!tpu.dma_semaphore, #tpu.memory_space<semaphore_mem>>) src(%dma_wait3A_9 : memref<18284544xf32, #tpu.memory_space<hbm>>) dst(%arg8 : memref<31360xf32, #tpu.memory_space<vmem>>)
    "tpu.region"() ({
      %run_scoped3A = tpu.sem_alloc : memref<!tpu.dma_semaphore, #tpu.memory_space<semaphore_mem>>
      %dma_start3A_10 = tpu.memref_slice %arg5[%mul3A_2] : memref<1003520xf32, #tpu.memory_space<hbm>> -> memref<31360xf32, #tpu.memory_space<hbm>>
      %dma_start3A_11 = tpu.memref_slice %arg5[%mul3A_2] : memref<1003520xf32, #tpu.memory_space<hbm>> -> memref<31360xf32, #tpu.memory_space<hbm>>
      tpu.enqueue_dma source(%arg8 : memref<31360xf32, #tpu.memory_space<vmem>>) target(%dma_start3A_11 : memref<31360xf32, #tpu.memory_space<hbm>>) target_semaphore(%run_scoped3A : memref<!tpu.dma_semaphore, #tpu.memory_space<semaphore_mem>>)
      %dma_wait3A_12 = tpu.memref_slice %arg5[%mul3A_2] : memref<1003520xf32, #tpu.memory_space<hbm>> -> memref<31360xf32, #tpu.memory_space<hbm>>
      %dma_wait3A_13 = tpu.memref_slice %arg5[%mul3A_2] : memref<1003520xf32, #tpu.memory_space<hbm>> -> memref<31360xf32, #tpu.memory_space<hbm>>
      tpu.wait_dma2 semaphore(%run_scoped3A : memref<!tpu.dma_semaphore, #tpu.memory_space<semaphore_mem>>) src(%arg8 : memref<31360xf32, #tpu.memory_space<vmem>>) dst(%dma_wait3A_13 : memref<31360xf32, #tpu.memory_space<hbm>>)
      tpu.yield
    }) : () -> ()
    return
  }
}

module attributes {stable_mosaic.version = 14 : i64} {
  func.func @_tc_reduce_body(%arg0: i32, %arg1: memref<9x65536xf32, #tpu.memory_space<vmem>>, %arg2: memref<1x1xf32, #tpu.memory_space<smem>>, %arg3: memref<4608x128xf32, #tpu.memory_space<vmem>>) attributes {dimension_semantics = [#tpu.dimension_semantics<arbitrary>], iteration_bounds = array<i64: 31>, scalar_prefetch = 0 : i64, scratch_operands = 0 : i64, tpu.core_type = #tpu.core_type<tc>, window_params = [{transform_indices = @transform_0, window_bounds = array<i64: 9, 65536>}, {transform_indices = @transform_1, window_bounds = array<i64: 1, 1>}, {transform_indices = @transform_2, window_bounds = array<i64: 4608, 128>}]} {
    %eq3A = arith.constant 0 : i32
    %eq3A_0 = arith.cmpi eq, %arg0, %eq3A : i32
    %convert_element_type3A = arith.extui %eq3A_0 : i1 to i32
    %cond3A = arith.constant 0 : i32
    %cond3A_1 = arith.cmpi ne, %convert_element_type3A, %cond3A : i32
    scf.if %cond3A_1 {
      %swap3A_15 = arith.constant 0.000000e+00 : f32
      %swap3A_16 = arith.constant 0 : index
      %swap3A_17 = arith.constant 0 : index
      %swap3A_18 = memref.load %arg2[%swap3A_16, %swap3A_17] : memref<1x1xf32, #tpu.memory_space<smem>>
      memref.store %swap3A_15, %arg2[%swap3A_16, %swap3A_17] : memref<1x1xf32, #tpu.memory_space<smem>>
    } else {
    }
    %get3A = arith.constant 0 : index
    %get3A_2 = arith.constant 0 : index
    %get3A_3 = vector.load %arg1[%get3A, %get3A_2] : memref<9x65536xf32, #tpu.memory_space<vmem>>, vector<9x65536xf32>
    %reshape3A = vector.shape_cast %get3A_3 : vector<9x65536xf32> to vector<4608x128xf32>
    %swap3A = arith.constant 0 : index
    %swap3A_4 = arith.constant 0 : index
    %swap3A_5 = vector.load %arg3[%swap3A, %swap3A_4] : memref<4608x128xf32, #tpu.memory_space<vmem>>, vector<4608x128xf32>
    tpu.vector_store %arg3[%swap3A, %swap3A_4], %reshape3A {strides = array<i32>} : memref<4608x128xf32, #tpu.memory_space<vmem>>, vector<4608x128xf32>,
    %slice3A = vector.extract_strided_slice %get3A_3 {offsets = [0, 0], sizes = [8, 65536], strides = [1, 1]} : vector<9x65536xf32> to vector<8x65536xf32>
    %lt3A = arith.constant 30 : i32
    %lt3A_6 = arith.cmpi slt, %arg0, %lt3A : i32
    %convert_element_type3A_7 = arith.extui %lt3A_6 : i1 to i32
    %cond3A_8 = arith.constant 0 : i32
    %cond3A_9 = arith.cmpi ne, %convert_element_type3A_7, %cond3A_8 : i32
    scf.if %cond3A_9 {
      %get3A_15 = arith.constant 0 : index
      %get3A_16 = arith.constant 0 : index
      %get3A_17 = memref.load %arg2[%get3A_15, %get3A_16] : memref<1x1xf32, #tpu.memory_space<smem>>
      %mul3A = arith.constant 0.159154937 : f32
      %mul3A_18 = vector.broadcast %mul3A : f32 to vector<8x65536xf32>
      %mul3A_19 = arith.mulf %slice3A, %mul3A_18 : vector<8x65536xf32>
      %round3A = math.roundeven %mul3A_19 : vector<8x65536xf32>
      %mul3A_20 = arith.constant 6.28318548 : f32
      %mul3A_21 = vector.broadcast %mul3A_20 : f32 to vector<8x65536xf32>
      %mul3A_22 = arith.mulf %round3A, %mul3A_21 : vector<8x65536xf32>
      %sub3A = arith.subf %slice3A, %mul3A_22 : vector<8x65536xf32>
      %mul3A_23 = arith.mulf %sub3A, %sub3A : vector<8x65536xf32>
      %broadcast_in_dim3A = arith.constant 1.87649894E-5 : f32
      %broadcast_in_dim3A_24 = vector.broadcast %broadcast_in_dim3A : f32 to vector<8x65536xf32>
      %mul3A_25 = arith.mulf %broadcast_in_dim3A_24, %mul3A_23 : vector<8x65536xf32>
      %add3A = arith.constant -0.00133801636 : f32
      %add3A_26 = vector.broadcast %add3A : f32 to vector<8x65536xf32>
      %add3A_27 = arith.addf %mul3A_25, %add3A_26 : vector<8x65536xf32>
      %mul3A_28 = arith.mulf %add3A_27, %mul3A_23 : vector<8x65536xf32>
      %add3A_29 = arith.constant 0.0414819866 : f32
      %add3A_30 = vector.broadcast %add3A_29 : f32 to vector<8x65536xf32>
      %add3A_31 = arith.addf %mul3A_28, %add3A_30 : vector<8x65536xf32>
      %mul3A_32 = arith.mulf %add3A_31, %mul3A_23 : vector<8x65536xf32>
      %add3A_33 = arith.constant -0.499742419 : f32
      %add3A_34 = vector.broadcast %add3A_33 : f32 to vector<8x65536xf32>
      %add3A_35 = arith.addf %mul3A_32, %add3A_34 : vector<8x65536xf32>
      %mul3A_36 = arith.mulf %add3A_35, %mul3A_23 : vector<8x65536xf32>
      %add3A_37 = arith.constant 0.999915838 : f32
      %add3A_38 = vector.broadcast %add3A_37 : f32 to vector<8x65536xf32>
      %add3A_39 = arith.addf %mul3A_36, %add3A_38 : vector<8x65536xf32>
      %sub3A_40 = arith.constant 1.000000e+00 : f32
      %sub3A_41 = vector.broadcast %sub3A_40 : f32 to vector<8x65536xf32>
      %sub3A_42 = arith.subf %sub3A_41, %add3A_39 : vector<8x65536xf32>
      %reduce_sum3A = vector.shape_cast %sub3A_42 : vector<8x65536xf32> to vector<1x8x65536xf32>
      %reduce_sum3A_43 = arith.constant dense<0.000000e+00> : vector<1xf32>
      %reduce_sum3A_44 = vector.multi_reduction <add>, %reduce_sum3A, %reduce_sum3A_43 [1, 2] : vector<1x8x65536xf32> to vector<1xf32>
      %reduce_sum3A_45 = vector.shape_cast %reduce_sum3A_44 : vector<1xf32> to vector<1x1x1xf32>
      %reduce_sum3A_46 = vector.extract %reduce_sum3A_45[0, 0, 0] : f32 from vector<1x1x1xf32>
      %add3A_47 = arith.addf %get3A_17, %reduce_sum3A_46 : f32
      %swap3A_48 = arith.constant 0 : index
      %swap3A_49 = arith.constant 0 : index
      %swap3A_50 = memref.load %arg2[%swap3A_48, %swap3A_49] : memref<1x1xf32, #tpu.memory_space<smem>>
      memref.store %add3A_47, %arg2[%swap3A_48, %swap3A_49] : memref<1x1xf32, #tpu.memory_space<smem>>
    } else {
    }
    %eq3A_10 = arith.constant 30 : i32
    %eq3A_11 = arith.cmpi eq, %arg0, %eq3A_10 : i32
    %convert_element_type3A_12 = arith.extui %eq3A_11 : i1 to i32
    %cond3A_13 = arith.constant 0 : i32
    %cond3A_14 = arith.cmpi ne, %convert_element_type3A_12, %cond3A_13 : i32
    scf.if %cond3A_14 {
      %iota3A = tpu.iota {dimensions = array<i32: 1>} : vector<8x65536xi32>
      %lt3A_15 = arith.constant 33920 : i32
      %lt3A_16 = vector.broadcast %lt3A_15 : i32 to vector<8x65536xi32>
      %lt3A_17 = arith.cmpi slt, %iota3A, %lt3A_16 : vector<8x65536xi32>
      %mul3A = arith.constant 0.159154937 : f32
      %mul3A_18 = vector.broadcast %mul3A : f32 to vector<8x65536xf32>
      %mul3A_19 = arith.mulf %slice3A, %mul3A_18 : vector<8x65536xf32>
      %round3A = math.roundeven %mul3A_19 : vector<8x65536xf32>
      %mul3A_20 = arith.constant 6.28318548 : f32
      %mul3A_21 = vector.broadcast %mul3A_20 : f32 to vector<8x65536xf32>
      %mul3A_22 = arith.mulf %round3A, %mul3A_21 : vector<8x65536xf32>
      %sub3A = arith.subf %slice3A, %mul3A_22 : vector<8x65536xf32>
      %mul3A_23 = arith.mulf %sub3A, %sub3A : vector<8x65536xf32>
      %broadcast_in_dim3A = arith.constant 1.87649894E-5 : f32
      %broadcast_in_dim3A_24 = vector.broadcast %broadcast_in_dim3A : f32 to vector<8x65536xf32>
      %mul3A_25 = arith.mulf %broadcast_in_dim3A_24, %mul3A_23 : vector<8x65536xf32>
      %add3A = arith.constant -0.00133801636 : f32
      %add3A_26 = vector.broadcast %add3A : f32 to vector<8x65536xf32>
      %add3A_27 = arith.addf %mul3A_25, %add3A_26 : vector<8x65536xf32>
      %mul3A_28 = arith.mulf %add3A_27, %mul3A_23 : vector<8x65536xf32>
      %add3A_29 = arith.constant 0.0414819866 : f32
      %add3A_30 = vector.broadcast %add3A_29 : f32 to vector<8x65536xf32>
      %add3A_31 = arith.addf %mul3A_28, %add3A_30 : vector<8x65536xf32>
      %mul3A_32 = arith.mulf %add3A_31, %mul3A_23 : vector<8x65536xf32>
      %add3A_33 = arith.constant -0.499742419 : f32
      %add3A_34 = vector.broadcast %add3A_33 : f32 to vector<8x65536xf32>
      %add3A_35 = arith.addf %mul3A_32, %add3A_34 : vector<8x65536xf32>
      %mul3A_36 = arith.mulf %add3A_35, %mul3A_23 : vector<8x65536xf32>
      %add3A_37 = arith.constant 0.999915838 : f32
      %add3A_38 = vector.broadcast %add3A_37 : f32 to vector<8x65536xf32>
      %add3A_39 = arith.addf %mul3A_36, %add3A_38 : vector<8x65536xf32>
      %sub3A_40 = arith.constant 1.000000e+00 : f32
      %sub3A_41 = vector.broadcast %sub3A_40 : f32 to vector<8x65536xf32>
      %sub3A_42 = arith.subf %sub3A_41, %add3A_39 : vector<8x65536xf32>
      %jit3A = arith.constant 0.000000e+00 : f32
      %broadcast_in_dim3A_43 = vector.broadcast %jit3A : f32 to vector<8x65536xf32>
      %select_n3A = arith.select %lt3A_17, %sub3A_42, %broadcast_in_dim3A_43 : vector<8x65536xi1>, vector<8x65536xf32>
      %get3A_44 = arith.constant 0 : index
      %get3A_45 = arith.constant 0 : index
      %get3A_46 = memref.load %arg2[%get3A_44, %get3A_45] : memref<1x1xf32, #tpu.memory_space<smem>>
      %reduce_sum3A = vector.shape_cast %select_n3A : vector<8x65536xf32> to vector<1x8x65536xf32>
      %reduce_sum3A_47 = arith.constant dense<0.000000e+00> : vector<1xf32>
      %reduce_sum3A_48 = vector.multi_reduction <add>, %reduce_sum3A, %reduce_sum3A_47 [1, 2] : vector<1x8x65536xf32> to vector<1xf32>
      %reduce_sum3A_49 = vector.shape_cast %reduce_sum3A_48 : vector<1xf32> to vector<1x1x1xf32>
      %reduce_sum3A_50 = vector.extract %reduce_sum3A_49[0, 0, 0] : f32 from vector<1x1x1xf32>
      %add3A_51 = arith.addf %get3A_46, %reduce_sum3A_50 : f32
      %swap3A_52 = arith.constant 0 : index
      %swap3A_53 = arith.constant 0 : index
      %swap3A_54 = memref.load %arg2[%swap3A_52, %swap3A_53] : memref<1x1xf32, #tpu.memory_space<smem>>
      memref.store %add3A_51, %arg2[%swap3A_52, %swap3A_53] : memref<1x1xf32, #tpu.memory_space<smem>>
    } else {
    }
    return
  }
  func.func @transform_0(%arg0: i32) -> (i32, i32) {
    %c0_i32 = arith.constant 0 : i32
    %c0_i32_0 = arith.constant 0 : i32
    return %c0_i32, %arg0 : i32, i32
  }
  func.func @transform_1(%arg0: i32) -> (i32, i32) {
    %c0_i32 = arith.constant 0 : i32
    %c0_i32_0 = arith.constant 0 : i32
    %c0_i32_1 = arith.constant 0 : i32
    return %c0_i32, %c0_i32_0 : i32, i32
  }
  func.func @transform_2(%arg0: i32) -> (i32, i32) {
    %c0_i32 = arith.constant 0 : i32
    %c0_i32_0 = arith.constant 0 : i32
    return %arg0, %c0_i32 : i32, i32
  }
}

module attributes {stable_mosaic.version = 14 : i64} {
  func.func @_tc_corr_body(%arg0: memref<7840x128xf32, #tpu.memory_space<vmem>>, %arg1: memref<1x1xf32, #tpu.memory_space<smem>>) attributes {dimension_semantics = [], scalar_prefetch = 0 : i64, scratch_operands = 0 : i64, tpu.core_type = #tpu.core_type<tc>} {
    %iota3A = tpu.iota {dimensions = array<i32: 0>} : vector<7840x128xi32>
    %iota3A_0 = tpu.iota {dimensions = array<i32: 1>} : vector<7840x128xi32>
    %mul3A = arith.constant 128 : i32
    %mul3A_1 = vector.broadcast %mul3A : i32 to vector<7840x128xi32>
    %mul3A_2 = arith.muli %iota3A, %mul3A_1 : vector<7840x128xi32>
    %add3A = arith.addi %mul3A_2, %iota3A_0 : vector<7840x128xi32>
    %lt3A = arith.constant 1000000 : i32
    %lt3A_3 = vector.broadcast %lt3A : i32 to vector<7840x128xi32>
    %lt3A_4 = arith.cmpi slt, %add3A, %lt3A_3 : vector<7840x128xi32>
    %get3A = arith.constant 0 : index
    %get3A_5 = arith.constant 0 : index
    %get3A_6 = vector.load %arg0[%get3A, %get3A_5] : memref<7840x128xf32, #tpu.memory_space<vmem>>, vector<7840x128xf32>
    %mul3A_7 = arith.constant 0.159154937 : f32
    %mul3A_8 = vector.broadcast %mul3A_7 : f32 to vector<7840x128xf32>
    %mul3A_9 = arith.mulf %get3A_6, %mul3A_8 : vector<7840x128xf32>
    %round3A = math.roundeven %mul3A_9 : vector<7840x128xf32>
    %mul3A_10 = arith.constant 6.28318548 : f32
    %mul3A_11 = vector.broadcast %mul3A_10 : f32 to vector<7840x128xf32>
    %mul3A_12 = arith.mulf %round3A, %mul3A_11 : vector<7840x128xf32>
    %sub3A = arith.subf %get3A_6, %mul3A_12 : vector<7840x128xf32>
    %mul3A_13 = arith.mulf %sub3A, %sub3A : vector<7840x128xf32>
    %broadcast_in_dim3A = arith.constant 1.87649894E-5 : f32
    %broadcast_in_dim3A_14 = vector.broadcast %broadcast_in_dim3A : f32 to vector<7840x128xf32>
    %mul3A_15 = arith.mulf %broadcast_in_dim3A_14, %mul3A_13 : vector<7840x128xf32>
    %add3A_16 = arith.constant -0.00133801636 : f32
    %add3A_17 = vector.broadcast %add3A_16 : f32 to vector<7840x128xf32>
    %add3A_18 = arith.addf %mul3A_15, %add3A_17 : vector<7840x128xf32>
    %mul3A_19 = arith.mulf %add3A_18, %mul3A_13 : vector<7840x128xf32>
    %add3A_20 = arith.constant 0.0414819866 : f32
    %add3A_21 = vector.broadcast %add3A_20 : f32 to vector<7840x128xf32>
    %add3A_22 = arith.addf %mul3A_19, %add3A_21 : vector<7840x128xf32>
    %mul3A_23 = arith.mulf %add3A_22, %mul3A_13 : vector<7840x128xf32>
    %add3A_24 = arith.constant -0.499742419 : f32
    %add3A_25 = vector.broadcast %add3A_24 : f32 to vector<7840x128xf32>
    %add3A_26 = arith.addf %mul3A_23, %add3A_25 : vector<7840x128xf32>
    %mul3A_27 = arith.mulf %add3A_26, %mul3A_13 : vector<7840x128xf32>
    %add3A_28 = arith.constant 0.999915838 : f32
    %add3A_29 = vector.broadcast %add3A_28 : f32 to vector<7840x128xf32>
    %add3A_30 = arith.addf %mul3A_27, %add3A_29 : vector<7840x128xf32>
    %jit3A = arith.constant 0.000000e+00 : f32
    %broadcast_in_dim3A_31 = vector.broadcast %jit3A : f32 to vector<7840x128xf32>
    %select_n3A = arith.select %lt3A_4, %add3A_30, %broadcast_in_dim3A_31 : vector<7840x128xi1>, vector<7840x128xf32>
    %reduce_sum3A = vector.shape_cast %select_n3A : vector<7840x128xf32> to vector<1x7840x128xf32>
    %reduce_sum3A_32 = arith.constant dense<0.000000e+00> : vector<1xf32>
    %reduce_sum3A_33 = vector.multi_reduction <add>, %reduce_sum3A, %reduce_sum3A_32 [1, 2] : vector<1x7840x128xf32> to vector<1xf32>
    %reduce_sum3A_34 = vector.shape_cast %reduce_sum3A_33 : vector<1xf32> to vector<1x1x1xf32>
    %reduce_sum3A_35 = vector.extract %reduce_sum3A_34[0, 0, 0] : f32 from vector<1x1x1xf32>
    %swap3A = arith.constant 0 : index
    %swap3A_36 = arith.constant 0 : index
    %swap3A_37 = memref.load %arg1[%swap3A, %swap3A_36] : memref<1x1xf32, #tpu.memory_space<smem>>
    memref.store %reduce_sum3A_35, %arg1[%swap3A, %swap3A_36] : memref<1x1xf32, #tpu.memory_space<smem>>
    return
  }
}

module attributes {stable_mosaic.version = 14 : i64} {
  func.func @_tc_row8_body(%arg0: i32, %arg1: memref<512x128xf32, #tpu.memory_space<vmem>>, %arg2: memref<7840x128xf32, #tpu.memory_space<vmem>>, %arg3: memref<1x1xf32, #tpu.memory_space<smem>>) attributes {dimension_semantics = [#tpu.dimension_semantics<arbitrary>], iteration_bounds = array<i64: 31>, scalar_prefetch = 0 : i64, scratch_operands = 0 : i64, tpu.core_type = #tpu.core_type<tc>, window_params = [{transform_indices = @transform_0, window_bounds = array<i64: 512, 128>}, {pipeline_mode = #tpu.pipeline_mode<synchronous>, transform_indices = @transform_1, window_bounds = array<i64: 7840, 128>}, {transform_indices = @transform_2, window_bounds = array<i64: 1, 1>}]} {
    %eq3A = arith.constant 0 : i32
    %eq3A_0 = arith.cmpi eq, %arg0, %eq3A : i32
    %convert_element_type3A = arith.extui %eq3A_0 : i1 to i32
    %cond3A = arith.constant 0 : i32
    %cond3A_1 = arith.cmpi ne, %convert_element_type3A, %cond3A : i32
    scf.if %cond3A_1 {
      %iota3A = tpu.iota {dimensions = array<i32: 0>} : vector<7840x128xi32>
      %iota3A_13 = tpu.iota {dimensions = array<i32: 1>} : vector<7840x128xi32>
      %mul3A = arith.constant 128 : i32
      %mul3A_14 = vector.broadcast %mul3A : i32 to vector<7840x128xi32>
      %mul3A_15 = arith.muli %iota3A, %mul3A_14 : vector<7840x128xi32>
      %add3A = arith.addi %mul3A_15, %iota3A_13 : vector<7840x128xi32>
      %lt3A_16 = arith.constant 1000000 : i32
      %lt3A_17 = vector.broadcast %lt3A_16 : i32 to vector<7840x128xi32>
      %lt3A_18 = arith.cmpi slt, %add3A, %lt3A_17 : vector<7840x128xi32>
      %get3A_19 = arith.constant 0 : index
      %get3A_20 = arith.constant 0 : index
      %get3A_21 = vector.load %arg2[%get3A_19, %get3A_20] : memref<7840x128xf32, #tpu.memory_space<vmem>>, vector<7840x128xf32>
      %mul3A_22 = arith.constant 0.159154937 : f32
      %mul3A_23 = vector.broadcast %mul3A_22 : f32 to vector<7840x128xf32>
      %mul3A_24 = arith.mulf %get3A_21, %mul3A_23 : vector<7840x128xf32>
      %round3A = math.roundeven %mul3A_24 : vector<7840x128xf32>
      %mul3A_25 = arith.constant 6.28318548 : f32
      %mul3A_26 = vector.broadcast %mul3A_25 : f32 to vector<7840x128xf32>
      %mul3A_27 = arith.mulf %round3A, %mul3A_26 : vector<7840x128xf32>
      %sub3A = arith.subf %get3A_21, %mul3A_27 : vector<7840x128xf32>
      %mul3A_28 = arith.mulf %sub3A, %sub3A : vector<7840x128xf32>
      %broadcast_in_dim3A = arith.constant 1.87649894E-5 : f32
      %broadcast_in_dim3A_29 = vector.broadcast %broadcast_in_dim3A : f32 to vector<7840x128xf32>
      %mul3A_30 = arith.mulf %broadcast_in_dim3A_29, %mul3A_28 : vector<7840x128xf32>
      %add3A_31 = arith.constant -0.00133801636 : f32
      %add3A_32 = vector.broadcast %add3A_31 : f32 to vector<7840x128xf32>
      %add3A_33 = arith.addf %mul3A_30, %add3A_32 : vector<7840x128xf32>
      %mul3A_34 = arith.mulf %add3A_33, %mul3A_28 : vector<7840x128xf32>
      %add3A_35 = arith.constant 0.0414819866 : f32
      %add3A_36 = vector.broadcast %add3A_35 : f32 to vector<7840x128xf32>
      %add3A_37 = arith.addf %mul3A_34, %add3A_36 : vector<7840x128xf32>
      %mul3A_38 = arith.mulf %add3A_37, %mul3A_28 : vector<7840x128xf32>
      %add3A_39 = arith.constant -0.499742419 : f32
      %add3A_40 = vector.broadcast %add3A_39 : f32 to vector<7840x128xf32>
      %add3A_41 = arith.addf %mul3A_38, %add3A_40 : vector<7840x128xf32>
      %mul3A_42 = arith.mulf %add3A_41, %mul3A_28 : vector<7840x128xf32>
      %add3A_43 = arith.constant 0.999915838 : f32
      %add3A_44 = vector.broadcast %add3A_43 : f32 to vector<7840x128xf32>
      %add3A_45 = arith.addf %mul3A_42, %add3A_44 : vector<7840x128xf32>
      %jit3A = arith.constant 0.000000e+00 : f32
      %broadcast_in_dim3A_46 = vector.broadcast %jit3A : f32 to vector<7840x128xf32>
      %select_n3A = arith.select %lt3A_18, %add3A_45, %broadcast_in_dim3A_46 : vector<7840x128xi1>, vector<7840x128xf32>
      %reduce_sum3A = vector.shape_cast %select_n3A : vector<7840x128xf32> to vector<1x7840x128xf32>
      %reduce_sum3A_47 = arith.constant dense<0.000000e+00> : vector<1xf32>
      %reduce_sum3A_48 = vector.multi_reduction <add>, %reduce_sum3A, %reduce_sum3A_47 [1, 2] : vector<1x7840x128xf32> to vector<1xf32>
      %reduce_sum3A_49 = vector.shape_cast %reduce_sum3A_48 : vector<1xf32> to vector<1x1x1xf32>
      %reduce_sum3A_50 = vector.extract %reduce_sum3A_49[0, 0, 0] : f32 from vector<1x1x1xf32>
      %neg3A = arith.constant 0.000000e+00 : f32
      %neg3A_51 = arith.subf %neg3A, %reduce_sum3A_50 : f32
      %swap3A = arith.constant 0 : index
      %swap3A_52 = arith.constant 0 : index
      %swap3A_53 = memref.load %arg3[%swap3A, %swap3A_52] : memref<1x1xf32, #tpu.memory_space<smem>>
      memref.store %neg3A_51, %arg3[%swap3A, %swap3A_52] : memref<1x1xf32, #tpu.memory_space<smem>>
    } else {
    }
    %get3A = arith.constant 0 : index
    %get3A_2 = arith.constant 0 : index
    %get3A_3 = vector.load %arg1[%get3A, %get3A_2] : memref<512x128xf32, #tpu.memory_space<vmem>>, vector<512x128xf32>
    %lt3A = arith.constant 30 : i32
    %lt3A_4 = arith.cmpi slt, %arg0, %lt3A : i32
    %convert_element_type3A_5 = arith.extui %lt3A_4 : i1 to i32
    %cond3A_6 = arith.constant 0 : i32
    %cond3A_7 = arith.cmpi ne, %convert_element_type3A_5, %cond3A_6 : i32
    scf.if %cond3A_7 {
      %get3A_13 = arith.constant 0 : index
      %get3A_14 = arith.constant 0 : index
      %get3A_15 = memref.load %arg3[%get3A_13, %get3A_14] : memref<1x1xf32, #tpu.memory_space<smem>>
      %mul3A = arith.constant 0.159154937 : f32
      %mul3A_16 = vector.broadcast %mul3A : f32 to vector<512x128xf32>
      %mul3A_17 = arith.mulf %get3A_3, %mul3A_16 : vector<512x128xf32>
      %round3A = math.roundeven %mul3A_17 : vector<512x128xf32>
      %mul3A_18 = arith.constant 6.28318548 : f32
      %mul3A_19 = vector.broadcast %mul3A_18 : f32 to vector<512x128xf32>
      %mul3A_20 = arith.mulf %round3A, %mul3A_19 : vector<512x128xf32>
      %sub3A = arith.subf %get3A_3, %mul3A_20 : vector<512x128xf32>
      %mul3A_21 = arith.mulf %sub3A, %sub3A : vector<512x128xf32>
      %broadcast_in_dim3A = arith.constant 1.87649894E-5 : f32
      %broadcast_in_dim3A_22 = vector.broadcast %broadcast_in_dim3A : f32 to vector<512x128xf32>
      %mul3A_23 = arith.mulf %broadcast_in_dim3A_22, %mul3A_21 : vector<512x128xf32>
      %add3A = arith.constant -0.00133801636 : f32
      %add3A_24 = vector.broadcast %add3A : f32 to vector<512x128xf32>
      %add3A_25 = arith.addf %mul3A_23, %add3A_24 : vector<512x128xf32>
      %mul3A_26 = arith.mulf %add3A_25, %mul3A_21 : vector<512x128xf32>
      %add3A_27 = arith.constant 0.0414819866 : f32
      %add3A_28 = vector.broadcast %add3A_27 : f32 to vector<512x128xf32>
      %add3A_29 = arith.addf %mul3A_26, %add3A_28 : vector<512x128xf32>
      %mul3A_30 = arith.mulf %add3A_29, %mul3A_21 : vector<512x128xf32>
      %add3A_31 = arith.constant -0.499742419 : f32
      %add3A_32 = vector.broadcast %add3A_31 : f32 to vector<512x128xf32>
      %add3A_33 = arith.addf %mul3A_30, %add3A_32 : vector<512x128xf32>
      %mul3A_34 = arith.mulf %add3A_33, %mul3A_21 : vector<512x128xf32>
      %add3A_35 = arith.constant 0.999915838 : f32
      %add3A_36 = vector.broadcast %add3A_35 : f32 to vector<512x128xf32>
      %add3A_37 = arith.addf %mul3A_34, %add3A_36 : vector<512x128xf32>
      %sub3A_38 = arith.constant 1.000000e+00 : f32
      %sub3A_39 = vector.broadcast %sub3A_38 : f32 to vector<512x128xf32>
      %sub3A_40 = arith.subf %sub3A_39, %add3A_37 : vector<512x128xf32>
      %reduce_sum3A = vector.shape_cast %sub3A_40 : vector<512x128xf32> to vector<1x512x128xf32>
      %reduce_sum3A_41 = arith.constant dense<0.000000e+00> : vector<1xf32>
      %reduce_sum3A_42 = vector.multi_reduction <add>, %reduce_sum3A, %reduce_sum3A_41 [1, 2] : vector<1x512x128xf32> to vector<1xf32>
      %reduce_sum3A_43 = vector.shape_cast %reduce_sum3A_42 : vector<1xf32> to vector<1x1x1xf32>
      %reduce_sum3A_44 = vector.extract %reduce_sum3A_43[0, 0, 0] : f32 from vector<1x1x1xf32>
      %add3A_45 = arith.addf %get3A_15, %reduce_sum3A_44 : f32
      %swap3A = arith.constant 0 : index
      %swap3A_46 = arith.constant 0 : index
      %swap3A_47 = memref.load %arg3[%swap3A, %swap3A_46] : memref<1x1xf32, #tpu.memory_space<smem>>
      memref.store %add3A_45, %arg3[%swap3A, %swap3A_46] : memref<1x1xf32, #tpu.memory_space<smem>>
    } else {
    }
    %eq3A_8 = arith.constant 30 : i32
    %eq3A_9 = arith.cmpi eq, %arg0, %eq3A_8 : i32
    %convert_element_type3A_10 = arith.extui %eq3A_9 : i1 to i32
    %cond3A_11 = arith.constant 0 : i32
    %cond3A_12 = arith.cmpi ne, %convert_element_type3A_10, %cond3A_11 : i32
    scf.if %cond3A_12 {
      %iota3A = tpu.iota {dimensions = array<i32: 0>} : vector<512x128xi32>
      %iota3A_13 = tpu.iota {dimensions = array<i32: 1>} : vector<512x128xi32>
      %mul3A = arith.constant 128 : i32
      %mul3A_14 = vector.broadcast %mul3A : i32 to vector<512x128xi32>
      %mul3A_15 = arith.muli %iota3A, %mul3A_14 : vector<512x128xi32>
      %add3A = arith.addi %mul3A_15, %iota3A_13 : vector<512x128xi32>
      %lt3A_16 = arith.constant 33920 : i32
      %lt3A_17 = vector.broadcast %lt3A_16 : i32 to vector<512x128xi32>
      %lt3A_18 = arith.cmpi slt, %add3A, %lt3A_17 : vector<512x128xi32>
      %mul3A_19 = arith.constant 0.159154937 : f32
      %mul3A_20 = vector.broadcast %mul3A_19 : f32 to vector<512x128xf32>
      %mul3A_21 = arith.mulf %get3A_3, %mul3A_20 : vector<512x128xf32>
      %round3A = math.roundeven %mul3A_21 : vector<512x128xf32>
      %mul3A_22 = arith.constant 6.28318548 : f32
      %mul3A_23 = vector.broadcast %mul3A_22 : f32 to vector<512x128xf32>
      %mul3A_24 = arith.mulf %round3A, %mul3A_23 : vector<512x128xf32>
      %sub3A = arith.subf %get3A_3, %mul3A_24 : vector<512x128xf32>
      %mul3A_25 = arith.mulf %sub3A, %sub3A : vector<512x128xf32>
      %broadcast_in_dim3A = arith.constant 1.87649894E-5 : f32
      %broadcast_in_dim3A_26 = vector.broadcast %broadcast_in_dim3A : f32 to vector<512x128xf32>
      %mul3A_27 = arith.mulf %broadcast_in_dim3A_26, %mul3A_25 : vector<512x128xf32>
      %add3A_28 = arith.constant -0.00133801636 : f32
      %add3A_29 = vector.broadcast %add3A_28 : f32 to vector<512x128xf32>
      %add3A_30 = arith.addf %mul3A_27, %add3A_29 : vector<512x128xf32>
      %mul3A_31 = arith.mulf %add3A_30, %mul3A_25 : vector<512x128xf32>
      %add3A_32 = arith.constant 0.0414819866 : f32
      %add3A_33 = vector.broadcast %add3A_32 : f32 to vector<512x128xf32>
      %add3A_34 = arith.addf %mul3A_31, %add3A_33 : vector<512x128xf32>
      %mul3A_35 = arith.mulf %add3A_34, %mul3A_25 : vector<512x128xf32>
      %add3A_36 = arith.constant -0.499742419 : f32
      %add3A_37 = vector.broadcast %add3A_36 : f32 to vector<512x128xf32>
      %add3A_38 = arith.addf %mul3A_35, %add3A_37 : vector<512x128xf32>
      %mul3A_39 = arith.mulf %add3A_38, %mul3A_25 : vector<512x128xf32>
      %add3A_40 = arith.constant 0.999915838 : f32
      %add3A_41 = vector.broadcast %add3A_40 : f32 to vector<512x128xf32>
      %add3A_42 = arith.addf %mul3A_39, %add3A_41 : vector<512x128xf32>
      %sub3A_43 = arith.constant 1.000000e+00 : f32
      %sub3A_44 = vector.broadcast %sub3A_43 : f32 to vector<512x128xf32>
      %sub3A_45 = arith.subf %sub3A_44, %add3A_42 : vector<512x128xf32>
      %jit3A = arith.constant 0.000000e+00 : f32
      %broadcast_in_dim3A_46 = vector.broadcast %jit3A : f32 to vector<512x128xf32>
      %select_n3A = arith.select %lt3A_18, %sub3A_45, %broadcast_in_dim3A_46 : vector<512x128xi1>, vector<512x128xf32>
      %get3A_47 = arith.constant 0 : index
      %get3A_48 = arith.constant 0 : index
      %get3A_49 = memref.load %arg3[%get3A_47, %get3A_48] : memref<1x1xf32, #tpu.memory_space<smem>>
      %reduce_sum3A = vector.shape_cast %select_n3A : vector<512x128xf32> to vector<1x512x128xf32>
      %reduce_sum3A_50 = arith.constant dense<0.000000e+00> : vector<1xf32>
      %reduce_sum3A_51 = vector.multi_reduction <add>, %reduce_sum3A, %reduce_sum3A_50 [1, 2] : vector<1x512x128xf32> to vector<1xf32>
      %reduce_sum3A_52 = vector.shape_cast %reduce_sum3A_51 : vector<1xf32> to vector<1x1x1xf32>
      %reduce_sum3A_53 = vector.extract %reduce_sum3A_52[0, 0, 0] : f32 from vector<1x1x1xf32>
      %add3A_54 = arith.addf %get3A_49, %reduce_sum3A_53 : f32
      %swap3A = arith.constant 0 : index
      %swap3A_55 = arith.constant 0 : index
      %swap3A_56 = memref.load %arg3[%swap3A, %swap3A_55] : memref<1x1xf32, #tpu.memory_space<smem>>
      memref.store %add3A_54, %arg3[%swap3A, %swap3A_55] : memref<1x1xf32, #tpu.memory_space<smem>>
    } else {
    }
    return
  }
  func.func @transform_0(%arg0: i32) -> (i32, i32) {
    %mul3A = arith.constant 9 : i32
    %mul3A_0 = arith.muli %arg0, %mul3A : i32
    %add3A = arith.constant 8 : i32
    %add3A_1 = arith.addi %mul3A_0, %add3A : i32
    %c0_i32 = arith.constant 0 : i32
    %c0_i32_2 = arith.constant 0 : i32
    return %add3A_1, %c0_i32 : i32, i32
  }
  func.func @transform_1(%arg0: i32) -> (i32, i32) {
    %c0_i32 = arith.constant 0 : i32
    %c0_i32_0 = arith.constant 0 : i32
    %c0_i32_1 = arith.constant 0 : i32
    return %c0_i32, %c0_i32_0 : i32, i32
  }
  func.func @transform_2(%arg0: i32) -> (i32, i32) {
    %c0_i32 = arith.constant 0 : i32
    %c0_i32_0 = arith.constant 0 : i32
    %c0_i32_1 = arith.constant 0 : i32
    return %c0_i32, %c0_i32_0 : i32, i32
  }
}

</mosaic_0001>

<sc_bundles>
// kernel: kernel.6.cloned.1.call-start
scs
__scs_entry_jumppad:
0x0: {  	(pc) =	sbr.rel $0x88, $3  }
0x1: {  	(tag) =	ssettag $0x0;
	lr =	simm.s32 $0x1  }
0x2: {  	[smem:$0x3F9D] =	sst lr;
	_ =	strace $0xD0000000  }
0x3: {  	_ = 	snop  }
0x4: {  	_ = 	snop  }
0x5: {  	_ = 	snop  }
0x6: {  	_ = 	snop  }
0x7: {  	_ = 	snop  }
__scs_overlays_trampoline_lowered:
0x8: {  	[smem:$0x3FAC] =	sst s0  }
0x9: {  	[smem:$0x3FAD] =	sst s1  }
0xa: {  	[smem:$0x3FAE] =	sst s2  }
0xb: {  	[smem:$0x3FAF] =	sst s3  }
0xc: {  	[smem:$0x3FB0] =	sst s4  }
0xd: {  	[smem:$0x3FB1] =	sst s5  }
0xe: {  	[smem:$0x3FB2] =	sst s6  }
0xf: {  	[smem:$0x3FB3] =	sst s7  }
0x10: {  	[smem:$0x3FB4] =	sst s8  }
0x11: {  	[smem:$0x3FB5] =	sst s9;
	s0 =	simm.s32 @!p0 $0x0  }
0x12: {  	s1 =	sld [smem:$0x3F9B];
	s0 =	simm.s32 @p0 $0x1  }
0x13: {  	[smem:$0x3FB6] =	sst s0;
	s0 =	simm.s32 @!p1 $0x0  }
0x14: {  	s2 =	sld [smem:$0x3F9A];
	s0 =	simm.s32 @p1 $0x1  }
0x15: {  	[smem:$0x3FB7] =	sst s0;
	s0 =	simm.s32 @!p2 $0x0  }
0x16: {  	s3 =	sld [smem:$0x3FDB];
	s0 =	simm.s32 @p2 $0x1  }
0x17: {  	s4 =	simm.s32 $0x1BF5;
	[smem:$0x3FB9] =	sst s0  }
0x18: {  	s0 =	sld [smem:$0x3F9C];
	_ =	swait.ge [sflag:s4], $0x0  }
0x19: {  	s7 =	sld [smem:$0x3F9D]  }
0x1a: {  	s8 =	sadd.s32 $0xFFFFE003, lr  }
0x1b: {  	s9 =	sadd.s32 $0xFFFFFEF7, lr;
	s5 =	simm.s32 $0xFFFFFFFF;
	p2 =	slt.u32 s8, $0xFFFFF086  }
0x1c: {  	p1 =	slt.u32 s9, $0xF7A;
	s5 =	simm.s32 @!p2 $0x0  }
0x1d: {  	s5 =	simm.s32 @p1 $0x1;
	p0 =	seq.s32 s7, s2  }
0x1e: {  	s7 =	smul.u32 @!p0 $0xF7A, s2;
	p2 =	seq.s32 @!p0 s5, $0x0  }
0x1f: {  	s9 =	smul.u32 $0xF7A, s1;
	s8 =	simm.s32 @!p0 $0x1BF5;
	p2 =	por !p2, p0  }
0x20: {  	[sflag:s8] =	ssyncset.s32 @!p0 $0xFFFFF086;
	s6 =	sadd.s32 @!p0 s3, s7;
	s7 =	simm.s32 @!p0 $0x108  }
0x21: {  	s3 =	sadd.s32 s3, s9;
	s6 =	sadd.s32 @!p0 $0x88, s6;
	s7 =	simm.s32 @p2 $0x1082  }
0x22: {  	[simem:s7], [sflag:s8] =	dma.local @!p0 [hbm:s6], $0xF7A  }
0x23: {  	s9 =	sor.u32 $0xD0000000, s2;
	s6 =	simm.s32 $0x108;
	_ =	swait.ge @!p0 [sflag:s8], $0x0  }
0x24: {  	s3 =	sadd.s32 $0x88, s3;
	s6 =	simm.s32 @!p1 $0x1082;
	[sflag:s4] =	ssyncset.s32 $0xFFFFF086  }
0x25: {  	[simem:s6], [sflag:s4] =	dma.local [hbm:s3], $0xF7A  }
0x26: {  	[smem:$0x3F9D] =	sst s1;
	(tag) =	ssettag s2;
	_ =	strace s9  }
0x27: {  	s1 =	sld [smem:$0x3FAD]  }
0x28: {  	s2 =	sld [smem:$0x3FAE]  }
0x29: {  	s4 =	sld [smem:$0x3FB0]  }
0x2a: {  	p0 =	seq.s32 s5, $0x0;
	s5 =	sld [smem:$0x3FB1]  }
0x2b: {  	s6 =	sld [smem:$0x3FB2]  }
0x2c: {  	s7 =	sld [smem:$0x3FB3]  }
0x2d: {  	s3 =	simm.s32 $0x108;
	s8 =	sld [smem:$0x3FB4]  }
0x2e: {  	s3 =	simm.s32 @!p0 $0x1082;
	s9 =	sld [smem:$0x3FB5]  }
0x2f: {  	lr =	sadd.s32 s0, s3;
	s0 =	sld [smem:$0x3FAC]  }
0x30: {  	s3 =	sld [smem:$0x3FAF]  }
0x31: {  	[smem:$0x3FB8] =	sst s10  }
0x32: {  	s10 =	sld [smem:$0x3FB6];
	_ =	sdelay $0x3  }
0x33: {  	p0 =	seq.s32 s10, $0x1;
	s10 =	sld [smem:$0x3FB8];
	_ =	sdelay $0x3  }
0x34: {  	[smem:$0x3FB8] =	sst s10  }
0x35: {  	s10 =	sld [smem:$0x3FB7];
	_ =	sdelay $0x3  }
0x36: {  	p1 =	seq.s32 s10, $0x1;
	s10 =	sld [smem:$0x3FB8];
	_ =	sdelay $0x3  }
0x37: {  	[smem:$0x3FB8] =	sst s10  }
0x38: {  	s10 =	sld [smem:$0x3FB9]  }
0x39: {  	_ = 	snop;
	(pc) =	sbr.ind lr, $3  }
0x3a: {  	_ = 	snop  }
0x3b: {  	_ = 	snop  }
0x3c: {  	p2 =	seq.s32 s10, $0x1;
	s10 =	sld [smem:$0x3FB8]  }
0x3d: {  	_ =	shalt  }
0x3e: {  	_ =	shalt  }
0x3f: {  	_ =	shalt  }
0x40: {  	_ =	shalt  }
0x41: {  	_ =	shalt  }
0x42: {  	_ =	shalt  }
0x43: {  	_ =	shalt  }
0x44: {  	_ =	shalt  }
0x45: {  	_ =	shalt  }
0x46: {  	_ =	shalt  }
0x47: {  	_ =	shalt  }
0x48: {  	_ =	shalt  }
0x49: {  	_ =	shalt  }
0x4a: {  	_ =	shalt  }
0x4b: {  	_ =	shalt  }
0x4c: {  	_ =	shalt  }
0x4d: {  	_ =	shalt  }
0x4e: {  	_ =	shalt  }
0x4f: {  	_ =	shalt  }
0x50: {  	_ =	shalt  }
0x51: {  	_ =	shalt  }
0x52: {  	_ =	shalt  }
0x53: {  	_ =	shalt  }
0x54: {  	_ =	shalt  }
0x55: {  	_ =	shalt  }
0x56: {  	_ =	shalt  }
0x57: {  	_ =	shalt  }
0x58: {  	_ =	shalt  }
0x59: {  	_ =	shalt  }
0x5a: {  	_ =	shalt  }
0x5b: {  	_ =	shalt  }
0x5c: {  	_ =	shalt  }
0x5d: {  	_ =	shalt  }
0x5e: {  	_ =	shalt  }
0x5f: {  	_ =	shalt  }
0x60: {  	_ =	shalt  }
0x61: {  	_ =	shalt  }
0x62: {  	_ =	shalt  }
0x63: {  	_ =	shalt  }
0x64: {  	_ =	shalt  }
0x65: {  	_ =	shalt  }
0x66: {  	_ =	shalt  }
0x67: {  	_ =	shalt  }
0x68: {  	_ =	shalt  }
0x69: {  	_ =	shalt  }
0x6a: {  	_ =	shalt  }
0x6b: {  	_ =	shalt  }
0x6c: {  	_ =	shalt  }
0x6d: {  	_ =	shalt  }
0x6e: {  	_ =	shalt  }
0x6f: {  	_ =	shalt  }
0x70: {  	_ =	shalt  }
0x71: {  	_ =	shalt  }
0x72: {  	_ =	shalt  }
0x73: {  	_ =	shalt  }
0x74: {  	_ =	shalt  }
0x75: {  	_ =	shalt  }
0x76: {  	_ =	shalt  }
0x77: {  	_ =	shalt  }
0x78: {  	_ =	shalt  }
0x79: {  	_ =	shalt  }
0x7a: {  	_ =	shalt  }
0x7b: {  	_ =	shalt  }
0x7c: {  	_ =	shalt  }
0x7d: {  	_ =	shalt  }
0x7e: {  	_ =	shalt  }
0x7f: {  	_ =	shalt  }
0x80: {  	_ =	shalt  }
0x81: {  	_ =	shalt  }
0x82: {  	_ =	shalt  }
0x83: {  	_ =	shalt  }
0x84: {  	_ =	shalt  }
0x85: {  	_ =	shalt  }
0x86: {  	_ =	shalt  }
0x87: {  	_ =	shalt  }
.Lfunc_end0:
.L_simem_size_0:
called_computation_lowered:
.L_overlay_start_0:
0x88: {  	s2 =	sld [smem:$0x3FD9]  }
0x89: {  	s3 =	sld [smem:$0x3FFE];
	_ =	sdelay $0x1  }
0x8a: {  	s1 =	srdreg.scid  }
0x8b: {  	s0 =	sand.u32 $0x1, s1  }
0x8c: {  	s16 =	sshll.u32 s0, $0xA;
	s2 =	sadd.s32 s3, s2  }
0x8d: {  	s2 =	sadd.s32 s2, s16  }
0x8e: {  	[smem:$0x3FC4] =	sst s2  }
0x8f: {  	_ = 	snop  }
0x90: {  	(tm) =	ssettm $0x1  }
0x91: {  	s17 =	sld [smem:$0x3FFB];
	_ =	sdelay $0x3  }
0x92: {  	_ =	strace s17  }
0x93: {  	s2 =	sld [smem:$0x3FFC];
	_ =	sdelay $0x3  }
0x94: {  	_ =	strace s2  }
0x95: {  	s2 =	sld [smem:$0x3FFD];
	_ =	sdelay $0x3  }
0x96: {  	_ =	strace s2  }
0x97: {  	_ =	strace $0x8FFFFFFF  }
0x98: {  	s18 =	sld [smem:$0x3FDB];
	_ =	sdelay $0x1  }
0x99: {  	s19 =	simm.s32 $_scs_section_size  }
0x9a: {  	s4 =	simm.s32 $_size__tile_overlayer_lowered;
	s5 =	simm.s32 $_tile_overlayer_lowered  }
0x9b: {  	s22 =	simm.s32 $0x1BFF;
	s21 =	sshll.u32 s5, $0x1;
	s2 =	sadd.s32 s19, s18  }
0x9c: {  	s6 =	simm.s32 $0x0;
	s20 =	sshll.u32 s4, $0x1;
	s4 =	sadd.s32 s21, s2  }
0x9d: {  	[timem:s6], [sflag:s22] =	dma.local [hbm:s4], s20  }
0x9e: {  	_ =	swait.ge [sflag:s22], s20  }
0x9f: {  	s3 =	ssub.s32 $0x0, s20;
	[sflag:s22] =	ssyncset.done $0x0  }
0xa0: {  	[sflag:s22] =	ssyncadd.s32 s3;
	_ =	sdelay $0x1  }
0xa1: {  	s23 =	simm.s32 $0x1B8B  }
0xa2: {  	_ =	swait.ge [sflag:s23], $0x1  }
0xa3: {  	[sflag:s23] =	ssyncset.done $0x0  }
0xa4: {  	s25 =	simm.s32 $0x1B8E;
	s24 =	sld [smem:$0x3FFE];
	[sflag:s23] =	ssyncadd.s32 $0xFFFFFFFF  }
0xa5: {  	s26 =	simm.s32 $execute0_lowered;
	[smem:$0x3FD2] =	sst s25  }
0xa6: {  	s4 =	sshll.u32 s26, $0x1;
	_ =	strace $0x80000046;
	[dreg:$0x1] =	wrdreg $0xFFFFFFFF  }
0xa7: {  	s28 =	simm.s32 $_size_execute0_lowered;
	s2 =	sadd.s32 s2, s4;
	[dreg:$0x0] =	wrdreg $0x0  }
0xa8: {  	s4 =	sshll.u32 s28, $0x1;
	[dreg:$0x2] =	wrdreg s2  }
0xa9: {  	[dreg:$0x3] =	wrdreg s4  }
0xaa: {  	[dreg:$0x4] =	wrdreg $0xC0  }
0xab: {  	_ =	task [dreg:s6], $0x5FFFF  }
0xac: {  	[dreg:$0x1] =	wrdreg $0xFFFFFFFF  }
0xad: {  	[dreg:$0x0] =	wrdreg $0x60  }
0xae: {  	[dreg:$0x2] =	wrdreg s24  }
0xaf: {  	[dreg:$0x3] =	wrdreg $0x9  }
0xb0: {  	_ =	task.clear_ibuf [dreg:s6], $0x4FFFF;
	_ =	strace $0x90000046  }
0xb1: {  	s29 =	simm.s32 $0x9;
	_ =	strace $0x80000048  }
0xb2: {  	_ =	swait.ge [sflag:s29], $0x1  }
0xb3: {  	[sflag:s29] =	ssyncadd.s32 $0xFFFFFFFF  }
0xb4: {  	_ =	strace $0x90000048  }
0xb5: {  	_ =	sfence  }
0xb6: {  	s30 =	sld [smem:$0x0];
	_ =	sdelay $0x2  }
0xb7: {  	s31 =	sshll.u32 s1, $0xD;
	s1 =	sshrl.u32 s1, $0x2  }
0xb8: {  	s3 =	sand.u32 $0x4000, s31;
	s1 =	sadd.s32 s1, s30  }
0xb9: {  	s0 =	sor.u32 s3, s0;
	s1 =	sshll.u32 s1, $0x11  }
0xba: {  	s0 =	sor.u32 s1, s0  }
0xbb: {  	s0 =	sadd.s32 $0x8F2B, s0  }
0xbc: {  	[sflag:s0] =	ssyncadd.remote.s32 $0x1  }
0xbd: {  	_ =	sfence.sel $0xFFFF  }
0xbe: {  	[dreg:$0x0] =	wrdreg $0xFFFFFFFF;
	(pc) =	sbr.abs _section_cstart, $3  }
0xbf: {  	[dreg:$0x1] =	wrdreg $0xFFFFFFFF  }
0xc0: {  	_ =	task.clear_ibuf [dreg:s6], $0x2FFFF;
	_ =	strace $0x9FFFFFFF  }
0xc1: {  	(tm) =	ssettm $0x7FFFFFFF  }
tec
execute0_lowered:
.L_overlay_start_1:
0x0: {  	(tag) =	ssettag $0x1  }
0x1: {  	s1 =	srdreg.scid  }
0x2: {  	s0 =	stileid.u32;
	s4 =	rddreg [dreg:$0x0];
	s2 =	simm.s32 $0x0  }
0x3: {  	s9 =	simm.s32 $0x7A80;
	s3 =	sand.u32 $0x1, s1;
	s5 =	sshll.u32 s0, $0x1  }
0x4: {  	s10 =	simm.s32 $0xF500;
	s11 =	simm.s32 $0x1;
	s5 =	sor.u32 s3, s5  }
0x5: {  	s1 =	rddreg [dreg:$0x1];
	s6 =	ssub.s32 $0x2, s3;
	s5 =	smul.u32 $0xF50, s5  }
0x6: {  	s12 =	simm.s32 $0x0;
	[smem:$0x7FF] =	sst s2;
	s7 =	sshrl.u32 s6, $0x1  }
0x7: {  	_ =	strace $0x80000047;
	s7 =	ssub.s32 s6, s7;
	s8 =	sadd.s32 s5, s4  }
0x8: {  	s3 =	sadd.s32 $0x3E000, s4;
	s7 =	smax.u32 s7, $0x1;
	s4 =	sadd.s32 $0xC00, s8  }
0x9: {  	s5 =	sadd.s32 $0x1F600, s8;
	s6 =	sadd.s32 $0x26C000, s8;
	s8 =	simm.s32 $0x2  }
.LBB2_1:
0xa: {  	[tilespmem:s2], [sflag:$0x2] =	stream.linear.gather [hbm4b:s4+s2], $0x7A80, $0x38;
	[tilespmem:$0x16F80] =	vst v63  }
0xb: {  	_ =	swait.ge [sflag:s8], $0x7A80  }
0xc: {  	[sflag:s8] =	ssyncset.done $0x0  }
0xd: {  	[sflag:s8] =	ssyncadd.s32 $0xFFFF8580  }
0xe: {  	[tilespmem:s9], [sflag:$0x2] =	stream.linear.gather [hbm4b:s5+s2], $0x7A80, $0x38;
	[tilespmem:$0x16F80] =	vst v63  }
0xf: {  	_ =	swait.ge [sflag:s8], $0x7A80  }
0x10: {  	[sflag:s8] =	ssyncset.done $0x0  }
0x11: {  	s13 =	simm.s32 $0x40;
	[sflag:s8] =	ssyncadd.s32 $0xFFFF8580  }
0x12: {  	v0 =	vld [tilespmem:s13+$0xFFFFFFC0]  }
0x13: {  	s14 =	simm.s32 $0x7AC0  }
0x14: {  	v1 =	vld [tilespmem:s14+$0xFFFFFFC0];
	_ =	sdelay $0x2  }
0x15: {  	v2 =	vshrl.u32 v0, $0x10  }
0x16: {  	v2 =	vmul.u32 $0x90000, v2  }
0x17: {  	v1 =	vshll.u32 v1, $0x10  }
0x18: {  	v0 =	vand.u32 $0xFFFF, v0;
	v1 =	vadd.s32 v1, v2  }
0x19: {  	v0 =	vor.u32 v0, v1;
	v1 =	vld [tilespmem:s13+$0xFFFFFFD0]  }
0x1a: {  	[tilespmem:s13+$0xFFFFFFC0] =	vst v0  }
0x1b: {  	v0 =	vld [tilespmem:s14+$0xFFFFFFD0];
	_ =	sdelay $0x2  }
0x1c: {  	v2 =	vshrl.u32 v1, $0x10  }
0x1d: {  	v2 =	vmul.u32 $0x90000, v2  }
0x1e: {  	v0 =	vshll.u32 v0, $0x10  }
0x1f: {  	v1 =	vand.u32 $0xFFFF, v1;
	v0 =	vadd.s32 v0, v2  }
0x20: {  	v0 =	vor.u32 v1, v0;
	v1 =	vld [tilespmem:s13+$0xFFFFFFE0]  }
0x21: {  	[tilespmem:s13+$0xFFFFFFD0] =	vst v0  }
0x22: {  	v0 =	vld [tilespmem:s14+$0xFFFFFFE0];
	_ =	sdelay $0x2  }
0x23: {  	v2 =	vshrl.u32 v1, $0x10  }
0x24: {  	v2 =	vmul.u32 $0x90000, v2  }
0x25: {  	v0 =	vshll.u32 v0, $0x10  }
0x26: {  	v1 =	vand.u32 $0xFFFF, v1;
	v0 =	vadd.s32 v0, v2  }
0x27: {  	v0 =	vor.u32 v1, v0;
	v1 =	vld [tilespmem:s13+$0xFFFFFFF0]  }
0x28: {  	[tilespmem:s13+$0xFFFFFFE0] =	vst v0  }
0x29: {  	v0 =	vld [tilespmem:s14+$0xFFFFFFF0];
	_ =	sdelay $0x2  }
0x2a: {  	v2 =	vshrl.u32 v1, $0x10  }
0x2b: {  	v2 =	vmul.u32 $0x90000, v2  }
0x2c: {  	v0 =	vshll.u32 v0, $0x10  }
0x2d: {  	v1 =	vand.u32 $0xFFFF, v1;
	v0 =	vadd.s32 v0, v2  }
0x2e: {  	v0 =	vor.u32 v1, v0;
	v1 =	vld [tilespmem:s13+$0x0]  }
0x2f: {  	[tilespmem:s13+$0xFFFFFFF0] =	vst v0  }
0x30: {  	v0 =	vld [tilespmem:s14+$0x0];
	_ =	sdelay $0x2  }
0x31: {  	v2 =	vshrl.u32 v1, $0x10  }
0x32: {  	v2 =	vmul.u32 $0x90000, v2  }
0x33: {  	v0 =	vshll.u32 v0, $0x10  }
0x34: {  	v1 =	vand.u32 $0xFFFF, v1;
	v0 =	vadd.s32 v0, v2  }
0x35: {  	v0 =	vor.u32 v1, v0;
	v1 =	vld [tilespmem:s13+$0x10]  }
0x36: {  	[tilespmem:s13+$0x0] =	vst v0  }
0x37: {  	v0 =	vld [tilespmem:s14+$0x10];
	_ =	sdelay $0x2  }
0x38: {  	v2 =	vshrl.u32 v1, $0x10  }
0x39: {  	v2 =	vmul.u32 $0x90000, v2  }
0x3a: {  	v0 =	vshll.u32 v0, $0x10  }
0x3b: {  	v1 =	vand.u32 $0xFFFF, v1;
	v0 =	vadd.s32 v0, v2  }
0x3c: {  	v0 =	vor.u32 v1, v0;
	v1 =	vld [tilespmem:s13+$0x20]  }
0x3d: {  	[tilespmem:s13+$0x10] =	vst v0  }
0x3e: {  	v0 =	vld [tilespmem:s14+$0x20];
	_ =	sdelay $0x2  }
0x3f: {  	v2 =	vshrl.u32 v1, $0x10  }
0x40: {  	v2 =	vmul.u32 $0x90000, v2  }
0x41: {  	v0 =	vshll.u32 v0, $0x10  }
0x42: {  	v1 =	vand.u32 $0xFFFF, v1;
	v0 =	vadd.s32 v0, v2  }
0x43: {  	v0 =	vor.u32 v1, v0;
	v1 =	vld [tilespmem:s13+$0x30]  }
0x44: {  	[tilespmem:s13+$0x20] =	vst v0  }
0x45: {  	v0 =	vld [tilespmem:s14+$0x30];
	_ =	sdelay $0x2  }
0x46: {  	v2 =	vshrl.u32 v1, $0x10  }
0x47: {  	v2 =	vmul.u32 $0x90000, v2  }
0x48: {  	v0 =	vshll.u32 v0, $0x10  }
0x49: {  	s15 =	simm.s32 $0x0;
	s16 =	simm.s32 $0xC0;
	v1 =	vand.u32 $0xFFFF, v1;
	v0 =	vadd.s32 v0, v2  }
.LBB2_2:
0x4a: {  	v2 =	vld [tilespmem:s16+$0xFFFFFFC0];
	s15 =	sadd.s32 $0x8, s15;
	v0 =	vor.u32 v1, v0  }
0x4b: {  	s14 =	sadd.s32 $0x80, s14;
	p0 =	slt.u32 s15, $0x7A0;
	[tilespmem:s13+$0x30] =	vst v0;
	s13 =	smov.u32 s16  }
0x4c: {  	v0 =	vld [tilespmem:s14+$0xFFFFFFC0];
	_ =	sdelay $0x2  }
0x4d: {  	v1 =	vshrl.u32 v2, $0x10  }
0x4e: {  	v1 =	vmul.u32 $0x90000, v1  }
0x4f: {  	v0 =	vshll.u32 v0, $0x10  }
0x50: {  	v0 =	vadd.s32 v0, v1;
	v1 =	vand.u32 $0xFFFF, v2  }
0x51: {  	v0 =	vor.u32 v1, v0;
	v1 =	vld [tilespmem:s16+$0xFFFFFFD0]  }
0x52: {  	[tilespmem:s16+$0xFFFFFFC0] =	vst v0  }
0x53: {  	v0 =	vld [tilespmem:s14+$0xFFFFFFD0];
	_ =	sdelay $0x2  }
0x54: {  	v2 =	vshrl.u32 v1, $0x10  }
0x55: {  	v2 =	vmul.u32 $0x90000, v2  }
0x56: {  	v0 =	vshll.u32 v0, $0x10  }
0x57: {  	v1 =	vand.u32 $0xFFFF, v1;
	v0 =	vadd.s32 v0, v2  }
0x58: {  	v0 =	vor.u32 v1, v0;
	v1 =	vld [tilespmem:s16+$0xFFFFFFE0]  }
0x59: {  	[tilespmem:s16+$0xFFFFFFD0] =	vst v0  }
0x5a: {  	v0 =	vld [tilespmem:s14+$0xFFFFFFE0];
	_ =	sdelay $0x2  }
0x5b: {  	v2 =	vshrl.u32 v1, $0x10  }
0x5c: {  	v2 =	vmul.u32 $0x90000, v2  }
0x5d: {  	v0 =	vshll.u32 v0, $0x10  }
0x5e: {  	v1 =	vand.u32 $0xFFFF, v1;
	v0 =	vadd.s32 v0, v2  }
0x5f: {  	v0 =	vor.u32 v1, v0;
	v1 =	vld [tilespmem:s16+$0xFFFFFFF0]  }
0x60: {  	[tilespmem:s16+$0xFFFFFFE0] =	vst v0  }
0x61: {  	v0 =	vld [tilespmem:s14+$0xFFFFFFF0];
	_ =	sdelay $0x2  }
0x62: {  	v2 =	vshrl.u32 v1, $0x10  }
0x63: {  	v2 =	vmul.u32 $0x90000, v2  }
0x64: {  	v0 =	vshll.u32 v0, $0x10  }
0x65: {  	v1 =	vand.u32 $0xFFFF, v1;
	v0 =	vadd.s32 v0, v2  }
0x66: {  	v0 =	vor.u32 v1, v0;
	v1 =	vld [tilespmem:s16+$0x0]  }
0x67: {  	[tilespmem:s16+$0xFFFFFFF0] =	vst v0  }
0x68: {  	v0 =	vld [tilespmem:s14+$0x0];
	_ =	sdelay $0x2  }
0x69: {  	v2 =	vshrl.u32 v1, $0x10  }
0x6a: {  	v2 =	vmul.u32 $0x90000, v2  }
0x6b: {  	v0 =	vshll.u32 v0, $0x10  }
0x6c: {  	v1 =	vand.u32 $0xFFFF, v1;
	v0 =	vadd.s32 v0, v2  }
0x6d: {  	v0 =	vor.u32 v1, v0;
	v1 =	vld [tilespmem:s16+$0x10]  }
0x6e: {  	[tilespmem:s16+$0x0] =	vst v0  }
0x6f: {  	v0 =	vld [tilespmem:s14+$0x10];
	_ =	sdelay $0x2  }
0x70: {  	v2 =	vshrl.u32 v1, $0x10  }
0x71: {  	v2 =	vmul.u32 $0x90000, v2  }
0x72: {  	v0 =	vshll.u32 v0, $0x10  }
0x73: {  	v1 =	vand.u32 $0xFFFF, v1;
	v0 =	vadd.s32 v0, v2  }
0x74: {  	v0 =	vor.u32 v1, v0;
	v1 =	vld [tilespmem:s16+$0x20]  }
0x75: {  	[tilespmem:s16+$0x10] =	vst v0  }
0x76: {  	v0 =	vld [tilespmem:s14+$0x20];
	_ =	sdelay $0x2  }
0x77: {  	v2 =	vshrl.u32 v1, $0x10  }
0x78: {  	v2 =	vmul.u32 $0x90000, v2  }
0x79: {  	v0 =	vshll.u32 v0, $0x10  }
0x7a: {  	v1 =	vand.u32 $0xFFFF, v1;
	v0 =	vadd.s32 v0, v2  }
0x7b: {  	v0 =	vor.u32 v1, v0;
	v1 =	vld [tilespmem:s16+$0x30]  }
0x7c: {  	[tilespmem:s16+$0x20] =	vst v0  }
0x7d: {  	v0 =	vld [tilespmem:s14+$0x30];
	_ =	sdelay $0x1  }
.Ltmp0:
0x7e: {  	(pc) =	sbr.rel @p0 .LBB2_2-.Ltmp0, $4  }
0x7f: {  	v2 =	vshrl.u32 v1, $0x10  }
0x80: {  	v2 =	vmul.u32 $0x90000, v2  }
0x81: {  	v0 =	vshll.u32 v0, $0x10  }
0x82: {  	s16 =	sadd.s32 $0x80, s16;
	v1 =	vand.u32 $0xFFFF, v1;
	v0 =	vadd.s32 v0, v2  }
0x83: {  	v0 =	vor.u32 v1, v0  }
0x84: {  	[tilespmem:s13+$0x30] =	vst v0  }
0x85: {  	[tilespmem:s10], [sflag:$0x1] =	stream.indirect.gather [hbm4b:s3+s9], $0x1, s2, s9, $0xb8;
	[tilespmem:$0x16F80] =	vst v63  }
0x86: {  	s12 =	sadd.s32 $0x1, s12;
	_ =	swait.ge [sflag:s11], $0x7A80  }
0x87: {  	p0 =	sne.s32 s12, s7;
	[sflag:s11] =	ssyncset.done $0x0  }
.Ltmp1:
0x88: {  	[sflag:s11] =	ssyncadd.s32 $0xFFFF8580;
	(pc) =	sbr.rel @p0 .LBB2_1-.Ltmp1, $4  }
0x89: {  	[hbm4b:s6+s2] =	stream.linear.scatter [tilespmem:s10], [sflag:$0x2], $0x7A80, $0x38;
	[tilespmem:$0x16F80] =	vst v63  }
0x8a: {  	_ =	swait.ge [sflag:s8], $0x7A80  }
0x8b: {  	[sflag:s8] =	ssyncset.done $0x0  }
0x8c: {  	[sflag:s8] =	ssyncadd.s32 $0xFFFF8580  }
0x8d: {  	_ =	sfence.sel $0x180000  }
0x8e: {  	[bflag:$0x0] =	sbarrier.arrive $0xFFFF  }
0x8f: {  	p0 =	sne.s32 s0, $0x0;
	_ =	strace $0x90000047  }
0x90: {  	s0 =	sadd.s32 @!p0 $0x100000, s1;
	[bflag:$0x2] =	sbarrier.arrive $0xFFFF  }
0x91: {  	[sflag:s0] =	ssyncadd.tile.s32 @!p0 $0x1;
	_ =	shalt  }
.Lfunc_end2:
_tile_overlayer_lowered:
.L_overlay_start_2:
0x92: {  	(tag) =	ssettag $0x2  }
0x93: {  	s0 =	rddreg [dreg:$0x0];
	s2 =	stileid.u32  }
0x94: {  	s1 =	rddreg [dreg:$0x1];
	p0 =	sne.s32 s2, $0x0  }
0x95: {  	s3 =	rddreg [dreg:$0x2];
	[bflag:$0x3] =	sbarrier.arrive $0xFFFF;
	s2 =	simm.s32 @!p0 $0x1C02  }
0x96: {  	[timem:s3], [sflag:s2] =	dma.local @!p0 [hbm:s0], s1  }
0x97: {  	s0 =	simm.s32 @!p0 $0x2  }
0x98: {  	_ =	swait.ge @!p0 [sflag:s0], s1  }
0x99: {  	s1 =	ssub.s32 @!p0 $0x0, s1;
	[sflag:s0] =	ssyncset.done @!p0 $0x0  }
0x9a: {  	[sflag:s0] =	ssyncadd.s32 @!p0 s1  }
0x9b: {  	[bflag:$0x3] =	sbarrier.arrive $0xFFFF  }
0x9c: {  	_ =	shalt  }

</sc_bundles>
